<compile_context>
chip_gen: v7x
topology: tpu7x:2x2x1
jax: 0.10.2.dev20260603
libtpu: 0.0.44.dev20260713+nightly
codegen_flags: <defaults>
</compile_context>

<pallas_src>
import functools

import jax
import jax.numpy as jnp
from jax import lax
from jax.experimental import pallas as pl
from jax.experimental.pallas import tpu as pltpu
from jax.experimental.pallas import tpu_sc as plsc

N = 100000
B = 16384
NC = 1
NS = 16
NW = NC * NS
CHUNK = 6272
TAIL = N - 15 * CHUNK
VPC_TAIL = TAIL // 16
VPC_EXTRA = (CHUNK - TAIL) // 16
GCH = 128
BPW = B // NW
RPW = BPW // GCH
SOFF = 32


def _body(idx_hbm, w_hbm, out_hbm,
          w_v, idx_v, gath_v, out_v, acc_v, all_v, shared,
          sem_w, sem_i, sem_g):
    s = lax.axis_index("s")
    c = lax.axis_index("c")
    wid = s * NC + c
    base = s * CHUNK

    w_cp = pltpu.async_copy(w_hbm.at[pl.ds(base, TAIL)],
                            w_v.at[pl.ds(0, TAIL)], sem_w)
    idx_cp = pltpu.async_copy(idx_hbm.at[pl.ds(wid * BPW, BPW)], idx_v,
                              sem_i)

    @pl.when(s < NS - 1)
    def _():
        pltpu.async_copy(w_hbm.at[pl.ds(base + TAIL, CHUNK - TAIL)],
                         w_v.at[pl.ds(TAIL, CHUNK - TAIL)], sem_w)

    idx_cp.wait()
    gcps = [
        pltpu.async_copy(w_hbm.at[idx_v.at[pl.ds(j * GCH, GCH)]],
                         gath_v.at[pl.ds(j * GCH, GCH)], sem_g)
        for j in range(RPW)
    ]

    w_cp.wait()

    @pl.when(s < NS - 1)
    def _():
        pltpu.make_async_copy(w_hbm.at[pl.ds(base + TAIL, CHUNK - TAIL)],
                              w_v.at[pl.ds(TAIL, CHUNK - TAIL)],
                              sem_w).wait()

    z = jnp.zeros((16,), jnp.float32)

    @plsc.parallel_loop(0, VPC_TAIL // 2, step=1, unroll=4, carry=(z, z))
    def red_common(i, accs):
        a0, a1 = accs
        b = i * 32
        return (a0 + jnp.exp(w_v[pl.ds(b, 16)]),
                a1 + jnp.exp(w_v[pl.ds(b + 16, 16)]))

    a0, a1 = red_common
    acc_c = a0 + a1

    def red_extra():
        @plsc.parallel_loop(0, VPC_EXTRA // 2, step=1, unroll=2,
                            carry=(z, z))
        def red_x(i, accs):
            a0, a1 = accs
            b = TAIL + i * 32
            return (a0 + jnp.exp(w_v[pl.ds(b, 16)]),
                    a1 + jnp.exp(w_v[pl.ds(b + 16, 16)]))

        x0, x1 = red_x
        return x0 + x1

    acc = acc_c + jnp.where(s < NS - 1, red_extra(), z)

    acc_v[...] = acc
    pltpu.sync_copy(acc_v, shared.at[SOFF + s])
    plsc.subcore_barrier()
    rd_cp = pltpu.async_copy(shared.at[pl.ds(SOFF, NS)], all_v, sem_w)

    for cp in gcps:
        cp.wait()

    @plsc.parallel_loop(0, BPW // 16, step=1, unroll=4)
    def exp_step(l):
        out_v[pl.ds(l * 16, 16)] = jnp.exp(gath_v[pl.ds(l * 16, 16)])

    rd_cp.wait()
    tot = jnp.zeros((16,), jnp.float32)
    for i in range(NS):
        tot = tot + all_v[i]
    lanes = lax.iota(jnp.int32, 16)
    dn = lax.GatherDimensionNumbers(
        offset_dims=(), collapsed_slice_dims=(0,), start_index_map=(0,))
    for k in (8, 4, 2, 1):
        tot = tot + lax.gather(
            tot, (lanes ^ k)[:, None], dn, slice_sizes=(1,),
            mode=lax.GatherScatterMode.PROMISE_IN_BOUNDS)
    inv = 1.0 / tot

    @plsc.parallel_loop(0, BPW // 16, step=1, unroll=4)
    def scale_step(l):
        out_v[pl.ds(l * 16, 16)] = out_v[pl.ds(l * 16, 16)] * inv

    pltpu.sync_copy(out_v, out_hbm.at[pl.ds(wid * BPW, BPW)])


@functools.lru_cache(maxsize=1)
def _sc_call():
    return pl.kernel(
        _body,
        out_type=jax.ShapeDtypeStruct((B,), jnp.float32),
        mesh=plsc.VectorSubcoreMesh(
            core_axis_name="c", subcore_axis_name="s",
            num_cores=NC, num_subcores=NS),
        scratch_types=[
            pltpu.VMEM((CHUNK,), jnp.float32),
            pltpu.VMEM((BPW,), jnp.int32),
            pltpu.VMEM((BPW,), jnp.float32),
            pltpu.VMEM((BPW,), jnp.float32),
            pltpu.VMEM((16,), jnp.float32),
            pltpu.VMEM((NS, 16), jnp.float32),
            pltpu.VMEM_SHARED((SOFF + NS, 16), jnp.float32),
            pltpu.SemaphoreType.DMA,
            pltpu.SemaphoreType.DMA,
            pltpu.SemaphoreType.DMA,
        ],
    )


@jax.jit
def kernel(image_idx, weights):
    idx = image_idx.astype(jnp.int32)
    out = _sc_call()(idx, weights)
    return out.reshape(1, 1, B)

# --- scband reference (transcript-rebuilt; emitter-appended) ---
"""Pipeline reference for scband-frame-weights-31121333026927 (READ-ONLY COPY).

The authoritative reference and input builder live on the scoring server;
editing this copy changes nothing except your own understanding.
"""

import jax, jax.numpy as jnp
import numpy as np

NUM_IMAGES = 100000
BATCH = 16384

def setup_inputs(seed: int = 0) -> dict:
    key = jax.random.key(seed)
    k_idx, k_w = jax.random.split(key)
    image_idx = jax.random.randint(k_idx, (BATCH,), 0, NUM_IMAGES, dtype=jnp.int64 if jax.config.jax_enable_x64 else jnp.int32)
    # learned parameter: per-frame weight logits (initialized to ones in torch; use randn-perturbed for nontrivial softmax)
    weights = jnp.ones((NUM_IMAGES,), dtype=jnp.float32) + 0.1 * jax.random.normal(k_w, (NUM_IMAGES,), dtype=jnp.float32)
    return {"image_idx": image_idx, "weights": weights}

def reference(image_idx, weights):
    # softmax over all frame weights, then gather at image_idx, add two leading dims
    w = jax.nn.softmax(weights, axis=0)
    out = jnp.take(w, image_idx, axis=0)[None, None]
    return out

if __name__ == "__main__":
    import jax
    _d = setup_inputs()
    print(jax.jit(kernel)(*tuple(_d.values())))

</pallas_src>

<mosaic_0001>
#map = affine_map<(d0, d1) -> (0)>
module attributes {stable_mosaic.version = 14 : i64} {
  func.func @_body(%arg0: i32, %arg1: i32, %arg2: memref<16384xi32, #tpu.memory_space<hbm>>, %arg3: memref<100000xf32, #tpu.memory_space<hbm>>, %arg4: memref<16384xf32, #tpu.memory_space<hbm>>, %arg5: memref<6272xf32, #tpu.memory_space<vmem>>, %arg6: memref<1024xi32, #tpu.memory_space<vmem>>, %arg7: memref<1024xf32, #tpu.memory_space<vmem>>, %arg8: memref<1024xf32, #tpu.memory_space<vmem>>, %arg9: memref<16xf32, #tpu.memory_space<vmem>>, %arg10: memref<16x16xf32, #tpu.memory_space<vmem>>, %arg11: memref<48x16xf32, #tpu.memory_space<vmem_shared>>, %arg12: memref<!tpu.dma_semaphore, #tpu.memory_space<semaphore_mem>>, %arg13: memref<!tpu.dma_semaphore, #tpu.memory_space<semaphore_mem>>, %arg14: memref<!tpu.dma_semaphore, #tpu.memory_space<semaphore_mem>>) attributes {dimension_semantics = [#tpu.dimension_semantics<core_parallel>, #tpu.dimension_semantics<subcore_parallel>], iteration_bounds = array<i64: 1, 16>, scalar_prefetch = 0 : i64, scratch_operands = 10 : i64, tpu.core_type = #tpu.core_type<sc_vector_subcore>, window_params = [{transform_indices = #map}, {transform_indices = #map}, {transform_indices = #map}]} {
    %mul3A = arith.constant 1 : i32
    %mul3A_0 = arith.muli %arg1, %mul3A : i32
    %add3A = arith.addi %mul3A_0, %arg0 : i32
    %mul3A_1 = arith.constant 6272 : i32
    %mul3A_2 = arith.muli %arg1, %mul3A_1 : i32
    %dma_start3A = arith.constant 0 : i32
    %dma_start3A_3 = tpu.memref_slice %arg5[%dma_start3A] : memref<6272xf32, #tpu.memory_space<vmem>> -> memref<5920xf32, #tpu.memory_space<vmem>>
    %dma_start3A_4 = tpu.memref_slice %arg3[%mul3A_2] : memref<100000xf32, #tpu.memory_space<hbm>> -> memref<5920xf32, #tpu.memory_space<hbm>>
    %dma_start3A_5 = arith.constant 0 : i32
    %dma_start3A_6 = tpu.memref_slice %arg5[%dma_start3A_5] : memref<6272xf32, #tpu.memory_space<vmem>> -> memref<5920xf32, #tpu.memory_space<vmem>>
    %dma_start3A_7 = tpu.memref_slice %arg3[%mul3A_2] : memref<100000xf32, #tpu.memory_space<hbm>> -> memref<5920xf32, #tpu.memory_space<hbm>>
    tpu.enqueue_dma source(%dma_start3A_7 : memref<5920xf32, #tpu.memory_space<hbm>>) target(%dma_start3A_6 : memref<5920xf32, #tpu.memory_space<vmem>>) target_semaphore(%arg12 : memref<!tpu.dma_semaphore, #tpu.memory_space<semaphore_mem>>)
    %mul3A_8 = arith.constant 1024 : i32
    %mul3A_9 = arith.muli %add3A, %mul3A_8 : i32
    %dma_start3A_10 = tpu.memref_slice %arg2[%mul3A_9] : memref<16384xi32, #tpu.memory_space<hbm>> -> memref<1024xi32, #tpu.memory_space<hbm>>
    %dma_start3A_11 = tpu.memref_slice %arg2[%mul3A_9] : memref<16384xi32, #tpu.memory_space<hbm>> -> memref<1024xi32, #tpu.memory_space<hbm>>
    tpu.enqueue_dma source(%dma_start3A_11 : memref<1024xi32, #tpu.memory_space<hbm>>) target(%arg6 : memref<1024xi32, #tpu.memory_space<vmem>>) target_semaphore(%arg13 : memref<!tpu.dma_semaphore, #tpu.memory_space<semaphore_mem>>)
    %lt3A = arith.constant 15 : i32
    %lt3A_12 = arith.cmpi slt, %arg1, %lt3A : i32
    %convert_element_type3A = arith.extui %lt3A_12 : i1 to i32
    %cond3A = arith.constant 0 : i32
    %cond3A_13 = arith.cmpi ne, %convert_element_type3A, %cond3A : i32
    scf.if %cond3A_13 {
      %add3A_285 = arith.constant 5920 : i32
      %add3A_286 = arith.addi %mul3A_2, %add3A_285 : i32
      %dma_start3A_287 = arith.constant 5920 : i32
      %dma_start3A_288 = tpu.memref_slice %arg5[%dma_start3A_287] : memref<6272xf32, #tpu.memory_space<vmem>> -> memref<352xf32, #tpu.memory_space<vmem>>
      %dma_start3A_289 = tpu.memref_slice %arg3[%add3A_286] : memref<100000xf32, #tpu.memory_space<hbm>> -> memref<352xf32, #tpu.memory_space<hbm>>
      %dma_start3A_290 = arith.constant 5920 : i32
      %dma_start3A_291 = tpu.memref_slice %arg5[%dma_start3A_290] : memref<6272xf32, #tpu.memory_space<vmem>> -> memref<352xf32, #tpu.memory_space<vmem>>
      %dma_start3A_292 = tpu.memref_slice %arg3[%add3A_286] : memref<100000xf32, #tpu.memory_space<hbm>> -> memref<352xf32, #tpu.memory_space<hbm>>
      tpu.enqueue_dma source(%dma_start3A_292 : memref<352xf32, #tpu.memory_space<hbm>>) target(%dma_start3A_291 : memref<352xf32, #tpu.memory_space<vmem>>) target_semaphore(%arg12 : memref<!tpu.dma_semaphore, #tpu.memory_space<semaphore_mem>>)
    } else {
    }
    %dma_wait3A = tpu.memref_slice %arg2[%mul3A_9] : memref<16384xi32, #tpu.memory_space<hbm>> -> memref<1024xi32, #tpu.memory_space<hbm>>
    %dma_wait3A_14 = tpu.memref_slice %arg2[%mul3A_9] : memref<16384xi32, #tpu.memory_space<hbm>> -> memref<1024xi32, #tpu.memory_space<hbm>>
    tpu.wait_dma2 semaphore(%arg13 : memref<!tpu.dma_semaphore, #tpu.memory_space<semaphore_mem>>) src(%dma_wait3A_14 : memref<1024xi32, #tpu.memory_space<hbm>>) dst(%arg6 : memref<1024xi32, #tpu.memory_space<vmem>>)
    %dma_start3A_15 = arith.constant 0 : i32
    %dma_start3A_16 = tpu.memref_slice %arg7[%dma_start3A_15] : memref<1024xf32, #tpu.memory_space<vmem>> -> memref<128xf32, #tpu.memory_space<vmem>>
    %dma_start3A_17 = arith.constant 0 : i32
    %dma_start3A_18 = tpu.memref_slice %arg6[%dma_start3A_17] : memref<1024xi32, #tpu.memory_space<vmem>> -> memref<128xi32, #tpu.memory_space<vmem>>
    %dma_start3A_19 = arith.constant 0 : i32
    %dma_start3A_20 = tpu.memref_slice %arg3[%dma_start3A_19] : memref<100000xf32, #tpu.memory_space<hbm>> -> memref<100000xf32, #tpu.memory_space<hbm>>
    tpu.enqueue_indirect_dma source(%dma_start3A_20 : memref<100000xf32, #tpu.memory_space<hbm>>) target(%dma_start3A_16 : memref<128xf32, #tpu.memory_space<vmem>>) offsets(%dma_start3A_18 : memref<128xi32, #tpu.memory_space<vmem>>) semaphore(%arg14 : memref<!tpu.dma_semaphore, #tpu.memory_space<semaphore_mem>>)
    %dma_start3A_21 = arith.constant 128 : i32
    %dma_start3A_22 = tpu.memref_slice %arg7[%dma_start3A_21] : memref<1024xf32, #tpu.memory_space<vmem>> -> memref<128xf32, #tpu.memory_space<vmem>>
    %dma_start3A_23 = arith.constant 128 : i32
    %dma_start3A_24 = tpu.memref_slice %arg6[%dma_start3A_23] : memref<1024xi32, #tpu.memory_space<vmem>> -> memref<128xi32, #tpu.memory_space<vmem>>
    %dma_start3A_25 = arith.constant 0 : i32
    %dma_start3A_26 = tpu.memref_slice %arg3[%dma_start3A_25] : memref<100000xf32, #tpu.memory_space<hbm>> -> memref<100000xf32, #tpu.memory_space<hbm>>
    tpu.enqueue_indirect_dma source(%dma_start3A_26 : memref<100000xf32, #tpu.memory_space<hbm>>) target(%dma_start3A_22 : memref<128xf32, #tpu.memory_space<vmem>>) offsets(%dma_start3A_24 : memref<128xi32, #tpu.memory_space<vmem>>) semaphore(%arg14 : memref<!tpu.dma_semaphore, #tpu.memory_space<semaphore_mem>>)
    %dma_start3A_27 = arith.constant 256 : i32
    %dma_start3A_28 = tpu.memref_slice %arg7[%dma_start3A_27] : memref<1024xf32, #tpu.memory_space<vmem>> -> memref<128xf32, #tpu.memory_space<vmem>>
    %dma_start3A_29 = arith.constant 256 : i32
    %dma_start3A_30 = tpu.memref_slice %arg6[%dma_start3A_29] : memref<1024xi32, #tpu.memory_space<vmem>> -> memref<128xi32, #tpu.memory_space<vmem>>
    %dma_start3A_31 = arith.constant 0 : i32
    %dma_start3A_32 = tpu.memref_slice %arg3[%dma_start3A_31] : memref<100000xf32, #tpu.memory_space<hbm>> -> memref<100000xf32, #tpu.memory_space<hbm>>
    tpu.enqueue_indirect_dma source(%dma_start3A_32 : memref<100000xf32, #tpu.memory_space<hbm>>) target(%dma_start3A_28 : memref<128xf32, #tpu.memory_space<vmem>>) offsets(%dma_start3A_30 : memref<128xi32, #tpu.memory_space<vmem>>) semaphore(%arg14 : memref<!tpu.dma_semaphore, #tpu.memory_space<semaphore_mem>>)
    %dma_start3A_33 = arith.constant 384 : i32
    %dma_start3A_34 = tpu.memref_slice %arg7[%dma_start3A_33] : memref<1024xf32, #tpu.memory_space<vmem>> -> memref<128xf32, #tpu.memory_space<vmem>>
    %dma_start3A_35 = arith.constant 384 : i32
    %dma_start3A_36 = tpu.memref_slice %arg6[%dma_start3A_35] : memref<1024xi32, #tpu.memory_space<vmem>> -> memref<128xi32, #tpu.memory_space<vmem>>
    %dma_start3A_37 = arith.constant 0 : i32
    %dma_start3A_38 = tpu.memref_slice %arg3[%dma_start3A_37] : memref<100000xf32, #tpu.memory_space<hbm>> -> memref<100000xf32, #tpu.memory_space<hbm>>
    tpu.enqueue_indirect_dma source(%dma_start3A_38 : memref<100000xf32, #tpu.memory_space<hbm>>) target(%dma_start3A_34 : memref<128xf32, #tpu.memory_space<vmem>>) offsets(%dma_start3A_36 : memref<128xi32, #tpu.memory_space<vmem>>) semaphore(%arg14 : memref<!tpu.dma_semaphore, #tpu.memory_space<semaphore_mem>>)
    %dma_start3A_39 = arith.constant 512 : i32
    %dma_start3A_40 = tpu.memref_slice %arg7[%dma_start3A_39] : memref<1024xf32, #tpu.memory_space<vmem>> -> memref<128xf32, #tpu.memory_space<vmem>>
    %dma_start3A_41 = arith.constant 512 : i32
    %dma_start3A_42 = tpu.memref_slice %arg6[%dma_start3A_41] : memref<1024xi32, #tpu.memory_space<vmem>> -> memref<128xi32, #tpu.memory_space<vmem>>
    %dma_start3A_43 = arith.constant 0 : i32
    %dma_start3A_44 = tpu.memref_slice %arg3[%dma_start3A_43] : memref<100000xf32, #tpu.memory_space<hbm>> -> memref<100000xf32, #tpu.memory_space<hbm>>
    tpu.enqueue_indirect_dma source(%dma_start3A_44 : memref<100000xf32, #tpu.memory_space<hbm>>) target(%dma_start3A_40 : memref<128xf32, #tpu.memory_space<vmem>>) offsets(%dma_start3A_42 : memref<128xi32, #tpu.memory_space<vmem>>) semaphore(%arg14 : memref<!tpu.dma_semaphore, #tpu.memory_space<semaphore_mem>>)
    %dma_start3A_45 = arith.constant 640 : i32
    %dma_start3A_46 = tpu.memref_slice %arg7[%dma_start3A_45] : memref<1024xf32, #tpu.memory_space<vmem>> -> memref<128xf32, #tpu.memory_space<vmem>>
    %dma_start3A_47 = arith.constant 640 : i32
    %dma_start3A_48 = tpu.memref_slice %arg6[%dma_start3A_47] : memref<1024xi32, #tpu.memory_space<vmem>> -> memref<128xi32, #tpu.memory_space<vmem>>
    %dma_start3A_49 = arith.constant 0 : i32
    %dma_start3A_50 = tpu.memref_slice %arg3[%dma_start3A_49] : memref<100000xf32, #tpu.memory_space<hbm>> -> memref<100000xf32, #tpu.memory_space<hbm>>
    tpu.enqueue_indirect_dma source(%dma_start3A_50 : memref<100000xf32, #tpu.memory_space<hbm>>) target(%dma_start3A_46 : memref<128xf32, #tpu.memory_space<vmem>>) offsets(%dma_start3A_48 : memref<128xi32, #tpu.memory_space<vmem>>) semaphore(%arg14 : memref<!tpu.dma_semaphore, #tpu.memory_space<semaphore_mem>>)
    %dma_start3A_51 = arith.constant 768 : i32
    %dma_start3A_52 = tpu.memref_slice %arg7[%dma_start3A_51] : memref<1024xf32, #tpu.memory_space<vmem>> -> memref<128xf32, #tpu.memory_space<vmem>>
    %dma_start3A_53 = arith.constant 768 : i32
    %dma_start3A_54 = tpu.memref_slice %arg6[%dma_start3A_53] : memref<1024xi32, #tpu.memory_space<vmem>> -> memref<128xi32, #tpu.memory_space<vmem>>
    %dma_start3A_55 = arith.constant 0 : i32
    %dma_start3A_56 = tpu.memref_slice %arg3[%dma_start3A_55] : memref<100000xf32, #tpu.memory_space<hbm>> -> memref<100000xf32, #tpu.memory_space<hbm>>
    tpu.enqueue_indirect_dma source(%dma_start3A_56 : memref<100000xf32, #tpu.memory_space<hbm>>) target(%dma_start3A_52 : memref<128xf32, #tpu.memory_space<vmem>>) offsets(%dma_start3A_54 : memref<128xi32, #tpu.memory_space<vmem>>) semaphore(%arg14 : memref<!tpu.dma_semaphore, #tpu.memory_space<semaphore_mem>>)
    %dma_start3A_57 = arith.constant 896 : i32
    %dma_start3A_58 = tpu.memref_slice %arg7[%dma_start3A_57] : memref<1024xf32, #tpu.memory_space<vmem>> -> memref<128xf32, #tpu.memory_space<vmem>>
    %dma_start3A_59 = arith.constant 896 : i32
    %dma_start3A_60 = tpu.memref_slice %arg6[%dma_start3A_59] : memref<1024xi32, #tpu.memory_space<vmem>> -> memref<128xi32, #tpu.memory_space<vmem>>
    %dma_start3A_61 = arith.constant 0 : i32
    %dma_start3A_62 = tpu.memref_slice %arg3[%dma_start3A_61] : memref<100000xf32, #tpu.memory_space<hbm>> -> memref<100000xf32, #tpu.memory_space<hbm>>
    tpu.enqueue_indirect_dma source(%dma_start3A_62 : memref<100000xf32, #tpu.memory_space<hbm>>) target(%dma_start3A_58 : memref<128xf32, #tpu.memory_space<vmem>>) offsets(%dma_start3A_60 : memref<128xi32, #tpu.memory_space<vmem>>) semaphore(%arg14 : memref<!tpu.dma_semaphore, #tpu.memory_space<semaphore_mem>>)
    %dma_wait3A_63 = arith.constant 0 : i32
    %dma_wait3A_64 = tpu.memref_slice %arg5[%dma_wait3A_63] : memref<6272xf32, #tpu.memory_space<vmem>> -> memref<5920xf32, #tpu.memory_space<vmem>>
    %dma_wait3A_65 = tpu.memref_slice %arg3[%mul3A_2] : memref<100000xf32, #tpu.memory_space<hbm>> -> memref<5920xf32, #tpu.memory_space<hbm>>
    %dma_wait3A_66 = arith.constant 0 : i32
    %dma_wait3A_67 = tpu.memref_slice %arg5[%dma_wait3A_66] : memref<6272xf32, #tpu.memory_space<vmem>> -> memref<5920xf32, #tpu.memory_space<vmem>>
    %dma_wait3A_68 = tpu.memref_slice %arg3[%mul3A_2] : memref<100000xf32, #tpu.memory_space<hbm>> -> memref<5920xf32, #tpu.memory_space<hbm>>
    tpu.wait_dma2 semaphore(%arg12 : memref<!tpu.dma_semaphore, #tpu.memory_space<semaphore_mem>>) src(%dma_wait3A_68 : memref<5920xf32, #tpu.memory_space<hbm>>) dst(%dma_wait3A_67 : memref<5920xf32, #tpu.memory_space<vmem>>)
    %lt3A_69 = arith.constant 15 : i32
    %lt3A_70 = arith.cmpi slt, %arg1, %lt3A_69 : i32
    %convert_element_type3A_71 = arith.extui %lt3A_70 : i1 to i32
    %cond3A_72 = arith.constant 0 : i32
    %cond3A_73 = arith.cmpi ne, %convert_element_type3A_71, %cond3A_72 : i32
    scf.if %cond3A_73 {
      %add3A_285 = arith.constant 5920 : i32
      %add3A_286 = arith.addi %mul3A_2, %add3A_285 : i32
      %dma_wait3A_287 = arith.constant 5920 : i32
      %dma_wait3A_288 = tpu.memref_slice %arg5[%dma_wait3A_287] : memref<6272xf32, #tpu.memory_space<vmem>> -> memref<352xf32, #tpu.memory_space<vmem>>
      %dma_wait3A_289 = tpu.memref_slice %arg3[%add3A_286] : memref<100000xf32, #tpu.memory_space<hbm>> -> memref<352xf32, #tpu.memory_space<hbm>>
      %dma_wait3A_290 = arith.constant 5920 : i32
      %dma_wait3A_291 = tpu.memref_slice %arg5[%dma_wait3A_290] : memref<6272xf32, #tpu.memory_space<vmem>> -> memref<352xf32, #tpu.memory_space<vmem>>
      %dma_wait3A_292 = tpu.memref_slice %arg3[%add3A_286] : memref<100000xf32, #tpu.memory_space<hbm>> -> memref<352xf32, #tpu.memory_space<hbm>>
      tpu.wait_dma2 semaphore(%arg12 : memref<!tpu.dma_semaphore, #tpu.memory_space<semaphore_mem>>) src(%dma_wait3A_292 : memref<352xf32, #tpu.memory_space<hbm>>) dst(%dma_wait3A_291 : memref<352xf32, #tpu.memory_space<vmem>>)
    } else {
    }
    %broadcast_in_dim3A = arith.constant 0.000000e+00 : f32
    %broadcast_in_dim3A_74 = vector.broadcast %broadcast_in_dim3A : f32 to vector<16xf32>
    %parallel_loop3A = arith.constant 0 : i32
    %parallel_loop3A_75 = arith.constant 185 : i32
    %parallel_loop3A_76 = arith.constant 1 : i32
    %parallel_loop3A_77:2 = scf.for %parallel_loop3A_285 = %parallel_loop3A to %parallel_loop3A_75 step %parallel_loop3A_76 iter_args(%parallel_loop3A_286 = %broadcast_in_dim3A_74, %parallel_loop3A_287 = %broadcast_in_dim3A_74) -> (vector<16xf32>, vector<16xf32>)  : i32 {
      %parallel_loop3A_288 = arith.constant 32 : i32
      %parallel_loop3A_289 = arith.muli %parallel_loop3A_285, %parallel_loop3A_288 : i32
      %parallel_loop3A_290 = arith.index_cast %parallel_loop3A_289 : i32 to index
      %parallel_loop3A_291 = tpu.vector_load %arg5[%parallel_loop3A_290] {strides = array<i32>} : memref<6272xf32, #tpu.memory_space<vmem>>, vector<16xf32>,
      %parallel_loop3A_292 = vector.shape_cast %parallel_loop3A_291 : vector<16xf32> to vector<16xf32>
      %parallel_loop3A_293 = math.exp %parallel_loop3A_292 : vector<16xf32>
      %parallel_loop3A_294 = arith.addf %parallel_loop3A_286, %parallel_loop3A_293 : vector<16xf32>
      %parallel_loop3A_295 = arith.constant 16 : i32
      %parallel_loop3A_296 = arith.addi %parallel_loop3A_289, %parallel_loop3A_295 : i32
      %parallel_loop3A_297 = arith.index_cast %parallel_loop3A_296 : i32 to index
      %parallel_loop3A_298 = tpu.vector_load %arg5[%parallel_loop3A_297] {strides = array<i32>} : memref<6272xf32, #tpu.memory_space<vmem>>, vector<16xf32>,
      %parallel_loop3A_299 = vector.shape_cast %parallel_loop3A_298 : vector<16xf32> to vector<16xf32>
      %parallel_loop3A_300 = math.exp %parallel_loop3A_299 : vector<16xf32>
      %parallel_loop3A_301 = arith.addf %parallel_loop3A_287, %parallel_loop3A_300 : vector<16xf32>
      scf.yield %parallel_loop3A_294, %parallel_loop3A_301 : vector<16xf32>, vector<16xf32>
    } {sc.loop_unroll_factor = 4 : i64, sc.parallel_access}
    %add3A_78 = arith.addf %parallel_loop3A_77#0, %parallel_loop3A_77#1 : vector<16xf32>
    %lt3A_79 = arith.constant 15 : i32
    %lt3A_80 = arith.cmpi slt, %arg1, %lt3A_79 : i32
    %parallel_loop3A_81 = arith.constant 0 : i32
    %parallel_loop3A_82 = arith.constant 11 : i32
    %parallel_loop3A_83 = arith.constant 1 : i32
    %parallel_loop3A_84:2 = scf.for %parallel_loop3A_285 = %parallel_loop3A_81 to %parallel_loop3A_82 step %parallel_loop3A_83 iter_args(%parallel_loop3A_286 = %broadcast_in_dim3A_74, %parallel_loop3A_287 = %broadcast_in_dim3A_74) -> (vector<16xf32>, vector<16xf32>)  : i32 {
      %parallel_loop3A_288 = arith.constant 32 : i32
      %parallel_loop3A_289 = arith.muli %parallel_loop3A_285, %parallel_loop3A_288 : i32
      %parallel_loop3A_290 = arith.constant 5920 : i32
      %parallel_loop3A_291 = arith.addi %parallel_loop3A_290, %parallel_loop3A_289 : i32
      %parallel_loop3A_292 = arith.index_cast %parallel_loop3A_291 : i32 to index
      %parallel_loop3A_293 = tpu.vector_load %arg5[%parallel_loop3A_292] {strides = array<i32>} : memref<6272xf32, #tpu.memory_space<vmem>>, vector<16xf32>,
      %parallel_loop3A_294 = vector.shape_cast %parallel_loop3A_293 : vector<16xf32> to vector<16xf32>
      %parallel_loop3A_295 = math.exp %parallel_loop3A_294 : vector<16xf32>
      %parallel_loop3A_296 = arith.addf %parallel_loop3A_286, %parallel_loop3A_295 : vector<16xf32>
      %parallel_loop3A_297 = arith.constant 16 : i32
      %parallel_loop3A_298 = arith.addi %parallel_loop3A_291, %parallel_loop3A_297 : i32
      %parallel_loop3A_299 = arith.index_cast %parallel_loop3A_298 : i32 to index
      %parallel_loop3A_300 = tpu.vector_load %arg5[%parallel_loop3A_299] {strides = array<i32>} : memref<6272xf32, #tpu.memory_space<vmem>>, vector<16xf32>,
      %parallel_loop3A_301 = vector.shape_cast %parallel_loop3A_300 : vector<16xf32> to vector<16xf32>
      %parallel_loop3A_302 = math.exp %parallel_loop3A_301 : vector<16xf32>
      %parallel_loop3A_303 = arith.addf %parallel_loop3A_287, %parallel_loop3A_302 : vector<16xf32>
      scf.yield %parallel_loop3A_296, %parallel_loop3A_303 : vector<16xf32>, vector<16xf32>
    } {sc.loop_unroll_factor = 2 : i64, sc.parallel_access}
    %add3A_85 = arith.addf %parallel_loop3A_84#0, %parallel_loop3A_84#1 : vector<16xf32>
    %select_n3A = arith.select %lt3A_80, %add3A_85, %broadcast_in_dim3A_74 : vector<16xf32>
    %add3A_86 = arith.addf %add3A_78, %select_n3A : vector<16xf32>
    %swap3A = arith.constant 0 : index
    %swap3A_87 = tpu.vector_load %arg9[%swap3A] {strides = array<i32>} : memref<16xf32, #tpu.memory_space<vmem>>, vector<16xf32>,
    %swap3A_88 = vector.shape_cast %swap3A_87 : vector<16xf32> to vector<16xf32>
    %swap3A_89 = vector.shape_cast %add3A_86 : vector<16xf32> to vector<16xf32>
    tpu.vector_store %arg9[%swap3A], %swap3A_89 {strides = array<i32>} : memref<16xf32, #tpu.memory_space<vmem>>, vector<16xf32>,
    %add3A_90 = arith.constant 32 : i32
    %add3A_91 = arith.addi %add3A_90, %arg1 : i32
    "tpu.region"() ({
      %run_scoped3A = tpu.sem_alloc : memref<!tpu.dma_semaphore, #tpu.memory_space<semaphore_mem>>
      %dma_start3A_285 = arith.constant 0 : i32
      %dma_start3A_286 = tpu.memref_slice %arg11[%add3A_91, %dma_start3A_285] : memref<48x16xf32, #tpu.memory_space<vmem_shared>> -> memref<1x16xf32, #tpu.memory_space<vmem_shared>>
      %dma_start3A_287 = tpu.memref_squeeze %dma_start3A_286 : memref<1x16xf32, #tpu.memory_space<vmem_shared>> -> memref<16xf32, #tpu.memory_space<vmem_shared>>
      %dma_start3A_288 = arith.constant 0 : i32
      %dma_start3A_289 = tpu.memref_slice %arg11[%add3A_91, %dma_start3A_288] : memref<48x16xf32, #tpu.memory_space<vmem_shared>> -> memref<1x16xf32, #tpu.memory_space<vmem_shared>>
      %dma_start3A_290 = tpu.memref_squeeze %dma_start3A_289 : memref<1x16xf32, #tpu.memory_space<vmem_shared>> -> memref<16xf32, #tpu.memory_space<vmem_shared>>
      tpu.enqueue_dma source(%arg9 : memref<16xf32, #tpu.memory_space<vmem>>) target(%dma_start3A_290 : memref<16xf32, #tpu.memory_space<vmem_shared>>) target_semaphore(%run_scoped3A : memref<!tpu.dma_semaphore, #tpu.memory_space<semaphore_mem>>)
      %dma_wait3A_291 = arith.constant 0 : i32
      %dma_wait3A_292 = tpu.memref_slice %arg11[%add3A_91, %dma_wait3A_291] : memref<48x16xf32, #tpu.memory_space<vmem_shared>> -> memref<1x16xf32, #tpu.memory_space<vmem_shared>>
      %dma_wait3A_293 = tpu.memref_squeeze %dma_wait3A_292 : memref<1x16xf32, #tpu.memory_space<vmem_shared>> -> memref<16xf32, #tpu.memory_space<vmem_shared>>
      %dma_wait3A_294 = arith.constant 0 : i32
      %dma_wait3A_295 = tpu.memref_slice %arg11[%add3A_91, %dma_wait3A_294] : memref<48x16xf32, #tpu.memory_space<vmem_shared>> -> memref<1x16xf32, #tpu.memory_space<vmem_shared>>
      %dma_wait3A_296 = tpu.memref_squeeze %dma_wait3A_295 : memref<1x16xf32, #tpu.memory_space<vmem_shared>> -> memref<16xf32, #tpu.memory_space<vmem_shared>>
      tpu.wait_dma2 semaphore(%run_scoped3A : memref<!tpu.dma_semaphore, #tpu.memory_space<semaphore_mem>>) src(%arg9 : memref<16xf32, #tpu.memory_space<vmem>>) dst(%dma_wait3A_296 : memref<16xf32, #tpu.memory_space<vmem_shared>>)
      tpu.yield
    }) : () -> ()
    %barrier3A = arith.constant 0 : index
    tpu.barrier barrier_id(%barrier3A)
    %dma_start3A_92 = arith.constant 32 : i32
    %dma_start3A_93 = arith.constant 0 : i32
    %dma_start3A_94 = tpu.memref_slice %arg11[%dma_start3A_92, %dma_start3A_93] : memref<48x16xf32, #tpu.memory_space<vmem_shared>> -> memref<16x16xf32, #tpu.memory_space<vmem_shared>>
    %dma_start3A_95 = arith.constant 32 : i32
    %dma_start3A_96 = arith.constant 0 : i32
    %dma_start3A_97 = tpu.memref_slice %arg11[%dma_start3A_95, %dma_start3A_96] : memref<48x16xf32, #tpu.memory_space<vmem_shared>> -> memref<16x16xf32, #tpu.memory_space<vmem_shared>>
    tpu.enqueue_dma source(%dma_start3A_97 : memref<16x16xf32, #tpu.memory_space<vmem_shared>>) target(%arg10 : memref<16x16xf32, #tpu.memory_space<vmem>>) target_semaphore(%arg12 : memref<!tpu.dma_semaphore, #tpu.memory_space<semaphore_mem>>)
    %dma_wait3A_98 = arith.constant 0 : i32
    %dma_wait3A_99 = tpu.memref_slice %arg7[%dma_wait3A_98] : memref<1024xf32, #tpu.memory_space<vmem>> -> memref<128xf32, #tpu.memory_space<vmem>>
    %dma_wait3A_100 = arith.constant 0 : i32
    %dma_wait3A_101 = tpu.memref_slice %arg6[%dma_wait3A_100] : memref<1024xi32, #tpu.memory_space<vmem>> -> memref<128xi32, #tpu.memory_space<vmem>>
    %dma_wait3A_102 = arith.constant 0 : i32
    %dma_wait3A_103 = tpu.memref_slice %arg3[%dma_wait3A_102] : memref<100000xf32, #tpu.memory_space<hbm>> -> memref<100000xf32, #tpu.memory_space<hbm>>
    tpu.wait_indirect_dma semaphore(%arg14 : memref<!tpu.dma_semaphore, #tpu.memory_space<semaphore_mem>>) src(%dma_wait3A_103 : memref<100000xf32, #tpu.memory_space<hbm>>) dst(%dma_wait3A_99 : memref<128xf32, #tpu.memory_space<vmem>>)
    %dma_wait3A_104 = arith.constant 128 : i32
    %dma_wait3A_105 = tpu.memref_slice %arg7[%dma_wait3A_104] : memref<1024xf32, #tpu.memory_space<vmem>> -> memref<128xf32, #tpu.memory_space<vmem>>
    %dma_wait3A_106 = arith.constant 128 : i32
    %dma_wait3A_107 = tpu.memref_slice %arg6[%dma_wait3A_106] : memref<1024xi32, #tpu.memory_space<vmem>> -> memref<128xi32, #tpu.memory_space<vmem>>
    %dma_wait3A_108 = arith.constant 0 : i32
    %dma_wait3A_109 = tpu.memref_slice %arg3[%dma_wait3A_108] : memref<100000xf32, #tpu.memory_space<hbm>> -> memref<100000xf32, #tpu.memory_space<hbm>>
    tpu.wait_indirect_dma semaphore(%arg14 : memref<!tpu.dma_semaphore, #tpu.memory_space<semaphore_mem>>) src(%dma_wait3A_109 : memref<100000xf32, #tpu.memory_space<hbm>>) dst(%dma_wait3A_105 : memref<128xf32, #tpu.memory_space<vmem>>)
    %dma_wait3A_110 = arith.constant 256 : i32
    %dma_wait3A_111 = tpu.memref_slice %arg7[%dma_wait3A_110] : memref<1024xf32, #tpu.memory_space<vmem>> -> memref<128xf32, #tpu.memory_space<vmem>>
    %dma_wait3A_112 = arith.constant 256 : i32
    %dma_wait3A_113 = tpu.memref_slice %arg6[%dma_wait3A_112] : memref<1024xi32, #tpu.memory_space<vmem>> -> memref<128xi32, #tpu.memory_space<vmem>>
    %dma_wait3A_114 = arith.constant 0 : i32
    %dma_wait3A_115 = tpu.memref_slice %arg3[%dma_wait3A_114] : memref<100000xf32, #tpu.memory_space<hbm>> -> memref<100000xf32, #tpu.memory_space<hbm>>
    tpu.wait_indirect_dma semaphore(%arg14 : memref<!tpu.dma_semaphore, #tpu.memory_space<semaphore_mem>>) src(%dma_wait3A_115 : memref<100000xf32, #tpu.memory_space<hbm>>) dst(%dma_wait3A_111 : memref<128xf32, #tpu.memory_space<vmem>>)
    %dma_wait3A_116 = arith.constant 384 : i32
    %dma_wait3A_117 = tpu.memref_slice %arg7[%dma_wait3A_116] : memref<1024xf32, #tpu.memory_space<vmem>> -> memref<128xf32, #tpu.memory_space<vmem>>
    %dma_wait3A_118 = arith.constant 384 : i32
    %dma_wait3A_119 = tpu.memref_slice %arg6[%dma_wait3A_118] : memref<1024xi32, #tpu.memory_space<vmem>> -> memref<128xi32, #tpu.memory_space<vmem>>
    %dma_wait3A_120 = arith.constant 0 : i32
    %dma_wait3A_121 = tpu.memref_slice %arg3[%dma_wait3A_120] : memref<100000xf32, #tpu.memory_space<hbm>> -> memref<100000xf32, #tpu.memory_space<hbm>>
    tpu.wait_indirect_dma semaphore(%arg14 : memref<!tpu.dma_semaphore, #tpu.memory_space<semaphore_mem>>) src(%dma_wait3A_121 : memref<100000xf32, #tpu.memory_space<hbm>>) dst(%dma_wait3A_117 : memref<128xf32, #tpu.memory_space<vmem>>)
    %dma_wait3A_122 = arith.constant 512 : i32
    %dma_wait3A_123 = tpu.memref_slice %arg7[%dma_wait3A_122] : memref<1024xf32, #tpu.memory_space<vmem>> -> memref<128xf32, #tpu.memory_space<vmem>>
    %dma_wait3A_124 = arith.constant 512 : i32
    %dma_wait3A_125 = tpu.memref_slice %arg6[%dma_wait3A_124] : memref<1024xi32, #tpu.memory_space<vmem>> -> memref<128xi32, #tpu.memory_space<vmem>>
    %dma_wait3A_126 = arith.constant 0 : i32
    %dma_wait3A_127 = tpu.memref_slice %arg3[%dma_wait3A_126] : memref<100000xf32, #tpu.memory_space<hbm>> -> memref<100000xf32, #tpu.memory_space<hbm>>
    tpu.wait_indirect_dma semaphore(%arg14 : memref<!tpu.dma_semaphore, #tpu.memory_space<semaphore_mem>>) src(%dma_wait3A_127 : memref<100000xf32, #tpu.memory_space<hbm>>) dst(%dma_wait3A_123 : memref<128xf32, #tpu.memory_space<vmem>>)
    %dma_wait3A_128 = arith.constant 640 : i32
    %dma_wait3A_129 = tpu.memref_slice %arg7[%dma_wait3A_128] : memref<1024xf32, #tpu.memory_space<vmem>> -> memref<128xf32, #tpu.memory_space<vmem>>
    %dma_wait3A_130 = arith.constant 640 : i32
    %dma_wait3A_131 = tpu.memref_slice %arg6[%dma_wait3A_130] : memref<1024xi32, #tpu.memory_space<vmem>> -> memref<128xi32, #tpu.memory_space<vmem>>
    %dma_wait3A_132 = arith.constant 0 : i32
    %dma_wait3A_133 = tpu.memref_slice %arg3[%dma_wait3A_132] : memref<100000xf32, #tpu.memory_space<hbm>> -> memref<100000xf32, #tpu.memory_space<hbm>>
    tpu.wait_indirect_dma semaphore(%arg14 : memref<!tpu.dma_semaphore, #tpu.memory_space<semaphore_mem>>) src(%dma_wait3A_133 : memref<100000xf32, #tpu.memory_space<hbm>>) dst(%dma_wait3A_129 : memref<128xf32, #tpu.memory_space<vmem>>)
    %dma_wait3A_134 = arith.constant 768 : i32
    %dma_wait3A_135 = tpu.memref_slice %arg7[%dma_wait3A_134] : memref<1024xf32, #tpu.memory_space<vmem>> -> memref<128xf32, #tpu.memory_space<vmem>>
    %dma_wait3A_136 = arith.constant 768 : i32
    %dma_wait3A_137 = tpu.memref_slice %arg6[%dma_wait3A_136] : memref<1024xi32, #tpu.memory_space<vmem>> -> memref<128xi32, #tpu.memory_space<vmem>>
    %dma_wait3A_138 = arith.constant 0 : i32
    %dma_wait3A_139 = tpu.memref_slice %arg3[%dma_wait3A_138] : memref<100000xf32, #tpu.memory_space<hbm>> -> memref<100000xf32, #tpu.memory_space<hbm>>
    tpu.wait_indirect_dma semaphore(%arg14 : memref<!tpu.dma_semaphore, #tpu.memory_space<semaphore_mem>>) src(%dma_wait3A_139 : memref<100000xf32, #tpu.memory_space<hbm>>) dst(%dma_wait3A_135 : memref<128xf32, #tpu.memory_space<vmem>>)
    %dma_wait3A_140 = arith.constant 896 : i32
    %dma_wait3A_141 = tpu.memref_slice %arg7[%dma_wait3A_140] : memref<1024xf32, #tpu.memory_space<vmem>> -> memref<128xf32, #tpu.memory_space<vmem>>
    %dma_wait3A_142 = arith.constant 896 : i32
    %dma_wait3A_143 = tpu.memref_slice %arg6[%dma_wait3A_142] : memref<1024xi32, #tpu.memory_space<vmem>> -> memref<128xi32, #tpu.memory_space<vmem>>
    %dma_wait3A_144 = arith.constant 0 : i32
    %dma_wait3A_145 = tpu.memref_slice %arg3[%dma_wait3A_144] : memref<100000xf32, #tpu.memory_space<hbm>> -> memref<100000xf32, #tpu.memory_space<hbm>>
    tpu.wait_indirect_dma semaphore(%arg14 : memref<!tpu.dma_semaphore, #tpu.memory_space<semaphore_mem>>) src(%dma_wait3A_145 : memref<100000xf32, #tpu.memory_space<hbm>>) dst(%dma_wait3A_141 : memref<128xf32, #tpu.memory_space<vmem>>)
    %parallel_loop3A_146 = arith.constant 0 : i32
    %parallel_loop3A_147 = arith.constant 64 : i32
    %parallel_loop3A_148 = arith.constant 1 : i32
    scf.for %parallel_loop3A_285 = %parallel_loop3A_146 to %parallel_loop3A_147 step %parallel_loop3A_148  : i32 {
      %parallel_loop3A_286 = arith.constant 16 : i32
      %parallel_loop3A_287 = arith.muli %parallel_loop3A_285, %parallel_loop3A_286 : i32
      %parallel_loop3A_288 = arith.index_cast %parallel_loop3A_287 : i32 to index
      %parallel_loop3A_289 = tpu.vector_load %arg7[%parallel_loop3A_288] {strides = array<i32>} : memref<1024xf32, #tpu.memory_space<vmem>>, vector<16xf32>,
      %parallel_loop3A_290 = vector.shape_cast %parallel_loop3A_289 : vector<16xf32> to vector<16xf32>
      %parallel_loop3A_291 = math.exp %parallel_loop3A_290 : vector<16xf32>
      %parallel_loop3A_292 = arith.constant 16 : i32
      %parallel_loop3A_293 = arith.muli %parallel_loop3A_285, %parallel_loop3A_292 : i32
      %parallel_loop3A_294 = arith.index_cast %parallel_loop3A_293 : i32 to index
      %parallel_loop3A_295 = tpu.vector_load %arg8[%parallel_loop3A_294] {strides = array<i32>} : memref<1024xf32, #tpu.memory_space<vmem>>, vector<16xf32>,
      %parallel_loop3A_296 = vector.shape_cast %parallel_loop3A_295 : vector<16xf32> to vector<16xf32>
      %parallel_loop3A_297 = vector.shape_cast %parallel_loop3A_291 : vector<16xf32> to vector<16xf32>
      tpu.vector_store %arg8[%parallel_loop3A_294], %parallel_loop3A_297 {strides = array<i32>} : memref<1024xf32, #tpu.memory_space<vmem>>, vector<16xf32>,
    } {sc.loop_unroll_factor = 4 : i64, sc.parallel_access}
    %dma_wait3A_149 = arith.constant 32 : i32
    %dma_wait3A_150 = arith.constant 0 : i32
    %dma_wait3A_151 = tpu.memref_slice %arg11[%dma_wait3A_149, %dma_wait3A_150] : memref<48x16xf32, #tpu.memory_space<vmem_shared>> -> memref<16x16xf32, #tpu.memory_space<vmem_shared>>
    %dma_wait3A_152 = arith.constant 32 : i32
    %dma_wait3A_153 = arith.constant 0 : i32
    %dma_wait3A_154 = tpu.memref_slice %arg11[%dma_wait3A_152, %dma_wait3A_153] : memref<48x16xf32, #tpu.memory_space<vmem_shared>> -> memref<16x16xf32, #tpu.memory_space<vmem_shared>>
    tpu.wait_dma2 semaphore(%arg12 : memref<!tpu.dma_semaphore, #tpu.memory_space<semaphore_mem>>) src(%dma_wait3A_154 : memref<16x16xf32, #tpu.memory_space<vmem_shared>>) dst(%arg10 : memref<16x16xf32, #tpu.memory_space<vmem>>)
    %broadcast_in_dim3A_155 = arith.constant 0.000000e+00 : f32
    %broadcast_in_dim3A_156 = vector.broadcast %broadcast_in_dim3A_155 : f32 to vector<16xf32>
    %get3A = arith.constant 0 : i32
    %get3A_157 = arith.index_cast %get3A : i32 to index
    %get3A_158 = arith.constant 0 : index
    %get3A_159 = tpu.vector_load %arg10[%get3A_157, %get3A_158] {strides = array<i32>} : memref<16x16xf32, #tpu.memory_space<vmem>>, vector<1x16xf32>,
    %get3A_160 = vector.shape_cast %get3A_159 : vector<1x16xf32> to vector<16xf32>
    %add3A_161 = arith.addf %broadcast_in_dim3A_156, %get3A_160 : vector<16xf32>
    %get3A_162 = arith.constant 1 : i32
    %get3A_163 = arith.index_cast %get3A_162 : i32 to index
    %get3A_164 = arith.constant 0 : index
    %get3A_165 = tpu.vector_load %arg10[%get3A_163, %get3A_164] {strides = array<i32>} : memref<16x16xf32, #tpu.memory_space<vmem>>, vector<1x16xf32>,
    %get3A_166 = vector.shape_cast %get3A_165 : vector<1x16xf32> to vector<16xf32>
    %add3A_167 = arith.addf %add3A_161, %get3A_166 : vector<16xf32>
    %get3A_168 = arith.constant 2 : i32
    %get3A_169 = arith.index_cast %get3A_168 : i32 to index
    %get3A_170 = arith.constant 0 : index
    %get3A_171 = tpu.vector_load %arg10[%get3A_169, %get3A_170] {strides = array<i32>} : memref<16x16xf32, #tpu.memory_space<vmem>>, vector<1x16xf32>,
    %get3A_172 = vector.shape_cast %get3A_171 : vector<1x16xf32> to vector<16xf32>
    %add3A_173 = arith.addf %add3A_167, %get3A_172 : vector<16xf32>
    %get3A_174 = arith.constant 3 : i32
    %get3A_175 = arith.index_cast %get3A_174 : i32 to index
    %get3A_176 = arith.constant 0 : index
    %get3A_177 = tpu.vector_load %arg10[%get3A_175, %get3A_176] {strides = array<i32>} : memref<16x16xf32, #tpu.memory_space<vmem>>, vector<1x16xf32>,
    %get3A_178 = vector.shape_cast %get3A_177 : vector<1x16xf32> to vector<16xf32>
    %add3A_179 = arith.addf %add3A_173, %get3A_178 : vector<16xf32>
    %get3A_180 = arith.constant 4 : i32
    %get3A_181 = arith.index_cast %get3A_180 : i32 to index
    %get3A_182 = arith.constant 0 : index
    %get3A_183 = tpu.vector_load %arg10[%get3A_181, %get3A_182] {strides = array<i32>} : memref<16x16xf32, #tpu.memory_space<vmem>>, vector<1x16xf32>,
    %get3A_184 = vector.shape_cast %get3A_183 : vector<1x16xf32> to vector<16xf32>
    %add3A_185 = arith.addf %add3A_179, %get3A_184 : vector<16xf32>
    %get3A_186 = arith.constant 5 : i32
    %get3A_187 = arith.index_cast %get3A_186 : i32 to index
    %get3A_188 = arith.constant 0 : index
    %get3A_189 = tpu.vector_load %arg10[%get3A_187, %get3A_188] {strides = array<i32>} : memref<16x16xf32, #tpu.memory_space<vmem>>, vector<1x16xf32>,
    %get3A_190 = vector.shape_cast %get3A_189 : vector<1x16xf32> to vector<16xf32>
    %add3A_191 = arith.addf %add3A_185, %get3A_190 : vector<16xf32>
    %get3A_192 = arith.constant 6 : i32
    %get3A_193 = arith.index_cast %get3A_192 : i32 to index
    %get3A_194 = arith.constant 0 : index
    %get3A_195 = tpu.vector_load %arg10[%get3A_193, %get3A_194] {strides = array<i32>} : memref<16x16xf32, #tpu.memory_space<vmem>>, vector<1x16xf32>,
    %get3A_196 = vector.shape_cast %get3A_195 : vector<1x16xf32> to vector<16xf32>
    %add3A_197 = arith.addf %add3A_191, %get3A_196 : vector<16xf32>
    %get3A_198 = arith.constant 7 : i32
    %get3A_199 = arith.index_cast %get3A_198 : i32 to index
    %get3A_200 = arith.constant 0 : index
    %get3A_201 = tpu.vector_load %arg10[%get3A_199, %get3A_200] {strides = array<i32>} : memref<16x16xf32, #tpu.memory_space<vmem>>, vector<1x16xf32>,
    %get3A_202 = vector.shape_cast %get3A_201 : vector<1x16xf32> to vector<16xf32>
    %add3A_203 = arith.addf %add3A_197, %get3A_202 : vector<16xf32>
    %get3A_204 = arith.constant 8 : i32
    %get3A_205 = arith.index_cast %get3A_204 : i32 to index
    %get3A_206 = arith.constant 0 : index
    %get3A_207 = tpu.vector_load %arg10[%get3A_205, %get3A_206] {strides = array<i32>} : memref<16x16xf32, #tpu.memory_space<vmem>>, vector<1x16xf32>,
    %get3A_208 = vector.shape_cast %get3A_207 : vector<1x16xf32> to vector<16xf32>
    %add3A_209 = arith.addf %add3A_203, %get3A_208 : vector<16xf32>
    %get3A_210 = arith.constant 9 : i32
    %get3A_211 = arith.index_cast %get3A_210 : i32 to index
    %get3A_212 = arith.constant 0 : index
    %get3A_213 = tpu.vector_load %arg10[%get3A_211, %get3A_212] {strides = array<i32>} : memref<16x16xf32, #tpu.memory_space<vmem>>, vector<1x16xf32>,
    %get3A_214 = vector.shape_cast %get3A_213 : vector<1x16xf32> to vector<16xf32>
    %add3A_215 = arith.addf %add3A_209, %get3A_214 : vector<16xf32>
    %get3A_216 = arith.constant 10 : i32
    %get3A_217 = arith.index_cast %get3A_216 : i32 to index
    %get3A_218 = arith.constant 0 : index
    %get3A_219 = tpu.vector_load %arg10[%get3A_217, %get3A_218] {strides = array<i32>} : memref<16x16xf32, #tpu.memory_space<vmem>>, vector<1x16xf32>,
    %get3A_220 = vector.shape_cast %get3A_219 : vector<1x16xf32> to vector<16xf32>
    %add3A_221 = arith.addf %add3A_215, %get3A_220 : vector<16xf32>
    %get3A_222 = arith.constant 11 : i32
    %get3A_223 = arith.index_cast %get3A_222 : i32 to index
    %get3A_224 = arith.constant 0 : index
    %get3A_225 = tpu.vector_load %arg10[%get3A_223, %get3A_224] {strides = array<i32>} : memref<16x16xf32, #tpu.memory_space<vmem>>, vector<1x16xf32>,
    %get3A_226 = vector.shape_cast %get3A_225 : vector<1x16xf32> to vector<16xf32>
    %add3A_227 = arith.addf %add3A_221, %get3A_226 : vector<16xf32>
    %get3A_228 = arith.constant 12 : i32
    %get3A_229 = arith.index_cast %get3A_228 : i32 to index
    %get3A_230 = arith.constant 0 : index
    %get3A_231 = tpu.vector_load %arg10[%get3A_229, %get3A_230] {strides = array<i32>} : memref<16x16xf32, #tpu.memory_space<vmem>>, vector<1x16xf32>,
    %get3A_232 = vector.shape_cast %get3A_231 : vector<1x16xf32> to vector<16xf32>
    %add3A_233 = arith.addf %add3A_227, %get3A_232 : vector<16xf32>
    %get3A_234 = arith.constant 13 : i32
    %get3A_235 = arith.index_cast %get3A_234 : i32 to index
    %get3A_236 = arith.constant 0 : index
    %get3A_237 = tpu.vector_load %arg10[%get3A_235, %get3A_236] {strides = array<i32>} : memref<16x16xf32, #tpu.memory_space<vmem>>, vector<1x16xf32>,
    %get3A_238 = vector.shape_cast %get3A_237 : vector<1x16xf32> to vector<16xf32>
    %add3A_239 = arith.addf %add3A_233, %get3A_238 : vector<16xf32>
    %get3A_240 = arith.constant 14 : i32
    %get3A_241 = arith.index_cast %get3A_240 : i32 to index
    %get3A_242 = arith.constant 0 : index
    %get3A_243 = tpu.vector_load %arg10[%get3A_241, %get3A_242] {strides = array<i32>} : memref<16x16xf32, #tpu.memory_space<vmem>>, vector<1x16xf32>,
    %get3A_244 = vector.shape_cast %get3A_243 : vector<1x16xf32> to vector<16xf32>
    %add3A_245 = arith.addf %add3A_239, %get3A_244 : vector<16xf32>
    %get3A_246 = arith.constant 15 : i32
    %get3A_247 = arith.index_cast %get3A_246 : i32 to index
    %get3A_248 = arith.constant 0 : index
    %get3A_249 = tpu.vector_load %arg10[%get3A_247, %get3A_248] {strides = array<i32>} : memref<16x16xf32, #tpu.memory_space<vmem>>, vector<1x16xf32>,
    %get3A_250 = vector.shape_cast %get3A_249 : vector<1x16xf32> to vector<16xf32>
    %add3A_251 = arith.addf %add3A_245, %get3A_250 : vector<16xf32>
    %iota3A = tpu.iota {dimensions = array<i32: 0>} : vector<16xi32>
    %xor3A = arith.constant 8 : i32
    %xor3A_252 = vector.broadcast %xor3A : i32 to vector<16xi32>
    %xor3A_253 = arith.xori %iota3A, %xor3A_252 : vector<16xi32>
    %broadcast_in_dim3A_254 = vector.shape_cast %xor3A_253 : vector<16xi32> to vector<16x1xi32>
    %gather3A = vector.shape_cast %broadcast_in_dim3A_254 : vector<16x1xi32> to vector<16xi32>
    %gather3A_255 = tpu.dynamic_gather %add3A_251[%gather3A] in [0] : vector<16xf32>, vector<16xi32> -> vector<16xf32>
    %add3A_256 = arith.addf %add3A_251, %gather3A_255 : vector<16xf32>
    %xor3A_257 = arith.constant 4 : i32
    %xor3A_258 = vector.broadcast %xor3A_257 : i32 to vector<16xi32>
    %xor3A_259 = arith.xori %iota3A, %xor3A_258 : vector<16xi32>
    %broadcast_in_dim3A_260 = vector.shape_cast %xor3A_259 : vector<16xi32> to vector<16x1xi32>
    %gather3A_261 = vector.shape_cast %broadcast_in_dim3A_260 : vector<16x1xi32> to vector<16xi32>
    %gather3A_262 = tpu.dynamic_gather %add3A_256[%gather3A_261] in [0] : vector<16xf32>, vector<16xi32> -> vector<16xf32>
    %add3A_263 = arith.addf %add3A_256, %gather3A_262 : vector<16xf32>
    %xor3A_264 = arith.constant 2 : i32
    %xor3A_265 = vector.broadcast %xor3A_264 : i32 to vector<16xi32>
    %xor3A_266 = arith.xori %iota3A, %xor3A_265 : vector<16xi32>
    %broadcast_in_dim3A_267 = vector.shape_cast %xor3A_266 : vector<16xi32> to vector<16x1xi32>
    %gather3A_268 = vector.shape_cast %broadcast_in_dim3A_267 : vector<16x1xi32> to vector<16xi32>
    %gather3A_269 = tpu.dynamic_gather %add3A_263[%gather3A_268] in [0] : vector<16xf32>, vector<16xi32> -> vector<16xf32>
    %add3A_270 = arith.addf %add3A_263, %gather3A_269 : vector<16xf32>
    %xor3A_271 = arith.constant 1 : i32
    %xor3A_272 = vector.broadcast %xor3A_271 : i32 to vector<16xi32>
    %xor3A_273 = arith.xori %iota3A, %xor3A_272 : vector<16xi32>
    %broadcast_in_dim3A_274 = vector.shape_cast %xor3A_273 : vector<16xi32> to vector<16x1xi32>
    %gather3A_275 = vector.shape_cast %broadcast_in_dim3A_274 : vector<16x1xi32> to vector<16xi32>
    %gather3A_276 = tpu.dynamic_gather %add3A_270[%gather3A_275] in [0] : vector<16xf32>, vector<16xi32> -> vector<16xf32>
    %add3A_277 = arith.addf %add3A_270, %gather3A_276 : vector<16xf32>
    %div3A = arith.constant 1.000000e+00 : f32
    %div3A_278 = vector.broadcast %div3A : f32 to vector<16xf32>
    %div3A_279 = arith.divf %div3A_278, %add3A_277 : vector<16xf32>
    %parallel_loop3A_280 = arith.constant 0 : i32
    %parallel_loop3A_281 = arith.constant 64 : i32
    %parallel_loop3A_282 = arith.constant 1 : i32
    scf.for %parallel_loop3A_285 = %parallel_loop3A_280 to %parallel_loop3A_281 step %parallel_loop3A_282  : i32 {
      %parallel_loop3A_286 = arith.constant 16 : i32
      %parallel_loop3A_287 = arith.muli %parallel_loop3A_285, %parallel_loop3A_286 : i32
      %parallel_loop3A_288 = arith.index_cast %parallel_loop3A_287 : i32 to index
      %parallel_loop3A_289 = tpu.vector_load %arg8[%parallel_loop3A_288] {strides = array<i32>} : memref<1024xf32, #tpu.memory_space<vmem>>, vector<16xf32>,
      %parallel_loop3A_290 = vector.shape_cast %parallel_loop3A_289 : vector<16xf32> to vector<16xf32>
      %parallel_loop3A_291 = arith.mulf %parallel_loop3A_290, %div3A_279 : vector<16xf32>
      %parallel_loop3A_292 = arith.constant 16 : i32
      %parallel_loop3A_293 = arith.muli %parallel_loop3A_285, %parallel_loop3A_292 : i32
      %parallel_loop3A_294 = arith.index_cast %parallel_loop3A_293 : i32 to index
      %parallel_loop3A_295 = tpu.vector_load %arg8[%parallel_loop3A_294] {strides = array<i32>} : memref<1024xf32, #tpu.memory_space<vmem>>, vector<16xf32>,
      %parallel_loop3A_296 = vector.shape_cast %parallel_loop3A_295 : vector<16xf32> to vector<16xf32>
      %parallel_loop3A_297 = vector.shape_cast %parallel_loop3A_291 : vector<16xf32> to vector<16xf32>
      tpu.vector_store %arg8[%parallel_loop3A_294], %parallel_loop3A_297 {strides = array<i32>} : memref<1024xf32, #tpu.memory_space<vmem>>, vector<16xf32>,
    } {sc.loop_unroll_factor = 4 : i64, sc.parallel_access}
    %mul3A_283 = arith.constant 1024 : i32
    %mul3A_284 = arith.muli %add3A, %mul3A_283 : i32
    "tpu.region"() ({
      %run_scoped3A = tpu.sem_alloc : memref<!tpu.dma_semaphore, #tpu.memory_space<semaphore_mem>>
      %dma_start3A_285 = tpu.memref_slice %arg4[%mul3A_284] : memref<16384xf32, #tpu.memory_space<hbm>> -> memref<1024xf32, #tpu.memory_space<hbm>>
      %dma_start3A_286 = tpu.memref_slice %arg4[%mul3A_284] : memref<16384xf32, #tpu.memory_space<hbm>> -> memref<1024xf32, #tpu.memory_space<hbm>>
      tpu.enqueue_dma source(%arg8 : memref<1024xf32, #tpu.memory_space<vmem>>) target(%dma_start3A_286 : memref<1024xf32, #tpu.memory_space<hbm>>) target_semaphore(%run_scoped3A : memref<!tpu.dma_semaphore, #tpu.memory_space<semaphore_mem>>)
      %dma_wait3A_287 = tpu.memref_slice %arg4[%mul3A_284] : memref<16384xf32, #tpu.memory_space<hbm>> -> memref<1024xf32, #tpu.memory_space<hbm>>
      %dma_wait3A_288 = tpu.memref_slice %arg4[%mul3A_284] : memref<16384xf32, #tpu.memory_space<hbm>> -> memref<1024xf32, #tpu.memory_space<hbm>>
      tpu.wait_dma2 semaphore(%run_scoped3A : memref<!tpu.dma_semaphore, #tpu.memory_space<semaphore_mem>>) src(%arg8 : memref<1024xf32, #tpu.memory_space<vmem>>) dst(%dma_wait3A_288 : memref<1024xf32, #tpu.memory_space<hbm>>)
      tpu.yield
    }) : () -> ()
    return
  }
}

</mosaic_0001>

<sc_bundles>
// kernel: kernel.3.cloned.1.call-start
scs
__scs_entry_jumppad:
0x0: {  	(pc) =	sbr.rel $0x88, $3  }
0x1: {  	(tag) =	ssettag $0x0;
	lr =	simm.s32 $0x1  }
0x2: {  	[smem:$0x3F9F] =	sst lr;
	_ =	strace $0xD0000000  }
0x3: {  	_ = 	snop  }
0x4: {  	_ = 	snop  }
0x5: {  	_ = 	snop  }
0x6: {  	_ = 	snop  }
0x7: {  	_ = 	snop  }
__scs_overlays_trampoline_lowered:
0x8: {  	[smem:$0x3FAE] =	sst s0  }
0x9: {  	[smem:$0x3FAF] =	sst s1  }
0xa: {  	[smem:$0x3FB0] =	sst s2  }
0xb: {  	[smem:$0x3FB1] =	sst s3  }
0xc: {  	[smem:$0x3FB2] =	sst s4  }
0xd: {  	[smem:$0x3FB3] =	sst s5  }
0xe: {  	[smem:$0x3FB4] =	sst s6  }
0xf: {  	[smem:$0x3FB5] =	sst s7  }
0x10: {  	[smem:$0x3FB6] =	sst s8  }
0x11: {  	[smem:$0x3FB7] =	sst s9;
	s0 =	simm.s32 @!p0 $0x0  }
0x12: {  	s1 =	sld [smem:$0x3F9D];
	s0 =	simm.s32 @p0 $0x1  }
0x13: {  	[smem:$0x3FB8] =	sst s0;
	s0 =	simm.s32 @!p1 $0x0  }
0x14: {  	s2 =	sld [smem:$0x3F9C];
	s0 =	simm.s32 @p1 $0x1  }
0x15: {  	[smem:$0x3FB9] =	sst s0;
	s0 =	simm.s32 @!p2 $0x0  }
0x16: {  	s3 =	sld [smem:$0x3FDB];
	s0 =	simm.s32 @p2 $0x1  }
0x17: {  	s4 =	simm.s32 $0x1BF5;
	[smem:$0x3FBB] =	sst s0  }
0x18: {  	s0 =	sld [smem:$0x3F9E];
	_ =	swait.ge [sflag:s4], $0x0  }
0x19: {  	s7 =	sld [smem:$0x3F9F]  }
0x1a: {  	s8 =	sadd.s32 $0xFFFFE003, lr  }
0x1b: {  	s9 =	sadd.s32 $0xFFFFFEF7, lr;
	s5 =	simm.s32 $0xFFFFFFFF;
	p2 =	slt.u32 s8, $0xFFFFF086  }
0x1c: {  	p1 =	slt.u32 s9, $0xF7A;
	s5 =	simm.s32 @!p2 $0x0  }
0x1d: {  	s5 =	simm.s32 @p1 $0x1;
	p0 =	seq.s32 s7, s2  }
0x1e: {  	s7 =	smul.u32 @!p0 $0xF7A, s2;
	p2 =	seq.s32 @!p0 s5, $0x0  }
0x1f: {  	s9 =	smul.u32 $0xF7A, s1;
	s8 =	simm.s32 @!p0 $0x1BF5;
	p2 =	por !p2, p0  }
0x20: {  	[sflag:s8] =	ssyncset.s32 @!p0 $0xFFFFF086;
	s6 =	sadd.s32 @!p0 s3, s7;
	s7 =	simm.s32 @!p0 $0x108  }
0x21: {  	s3 =	sadd.s32 s3, s9;
	s6 =	sadd.s32 @!p0 $0x88, s6;
	s7 =	simm.s32 @p2 $0x1082  }
0x22: {  	[simem:s7], [sflag:s8] =	dma.local @!p0 [hbm:s6], $0xF7A  }
0x23: {  	s9 =	sor.u32 $0xD0000000, s2;
	s6 =	simm.s32 $0x108;
	_ =	swait.ge @!p0 [sflag:s8], $0x0  }
0x24: {  	s3 =	sadd.s32 $0x88, s3;
	s6 =	simm.s32 @!p1 $0x1082;
	[sflag:s4] =	ssyncset.s32 $0xFFFFF086  }
0x25: {  	[simem:s6], [sflag:s4] =	dma.local [hbm:s3], $0xF7A  }
0x26: {  	[smem:$0x3F9F] =	sst s1;
	(tag) =	ssettag s2;
	_ =	strace s9  }
0x27: {  	s1 =	sld [smem:$0x3FAF]  }
0x28: {  	s2 =	sld [smem:$0x3FB0]  }
0x29: {  	s4 =	sld [smem:$0x3FB2]  }
0x2a: {  	p0 =	seq.s32 s5, $0x0;
	s5 =	sld [smem:$0x3FB3]  }
0x2b: {  	s6 =	sld [smem:$0x3FB4]  }
0x2c: {  	s7 =	sld [smem:$0x3FB5]  }
0x2d: {  	s3 =	simm.s32 $0x108;
	s8 =	sld [smem:$0x3FB6]  }
0x2e: {  	s3 =	simm.s32 @!p0 $0x1082;
	s9 =	sld [smem:$0x3FB7]  }
0x2f: {  	lr =	sadd.s32 s0, s3;
	s0 =	sld [smem:$0x3FAE]  }
0x30: {  	s3 =	sld [smem:$0x3FB1]  }
0x31: {  	[smem:$0x3FBA] =	sst s10  }
0x32: {  	s10 =	sld [smem:$0x3FB8];
	_ =	sdelay $0x3  }
0x33: {  	p0 =	seq.s32 s10, $0x1;
	s10 =	sld [smem:$0x3FBA];
	_ =	sdelay $0x3  }
0x34: {  	[smem:$0x3FBA] =	sst s10  }
0x35: {  	s10 =	sld [smem:$0x3FB9];
	_ =	sdelay $0x3  }
0x36: {  	p1 =	seq.s32 s10, $0x1;
	s10 =	sld [smem:$0x3FBA];
	_ =	sdelay $0x3  }
0x37: {  	[smem:$0x3FBA] =	sst s10  }
0x38: {  	s10 =	sld [smem:$0x3FBB]  }
0x39: {  	_ = 	snop;
	(pc) =	sbr.ind lr, $3  }
0x3a: {  	_ = 	snop  }
0x3b: {  	_ = 	snop  }
0x3c: {  	p2 =	seq.s32 s10, $0x1;
	s10 =	sld [smem:$0x3FBA]  }
0x3d: {  	_ =	shalt  }
0x3e: {  	_ =	shalt  }
0x3f: {  	_ =	shalt  }
0x40: {  	_ =	shalt  }
0x41: {  	_ =	shalt  }
0x42: {  	_ =	shalt  }
0x43: {  	_ =	shalt  }
0x44: {  	_ =	shalt  }
0x45: {  	_ =	shalt  }
0x46: {  	_ =	shalt  }
0x47: {  	_ =	shalt  }
0x48: {  	_ =	shalt  }
0x49: {  	_ =	shalt  }
0x4a: {  	_ =	shalt  }
0x4b: {  	_ =	shalt  }
0x4c: {  	_ =	shalt  }
0x4d: {  	_ =	shalt  }
0x4e: {  	_ =	shalt  }
0x4f: {  	_ =	shalt  }
0x50: {  	_ =	shalt  }
0x51: {  	_ =	shalt  }
0x52: {  	_ =	shalt  }
0x53: {  	_ =	shalt  }
0x54: {  	_ =	shalt  }
0x55: {  	_ =	shalt  }
0x56: {  	_ =	shalt  }
0x57: {  	_ =	shalt  }
0x58: {  	_ =	shalt  }
0x59: {  	_ =	shalt  }
0x5a: {  	_ =	shalt  }
0x5b: {  	_ =	shalt  }
0x5c: {  	_ =	shalt  }
0x5d: {  	_ =	shalt  }
0x5e: {  	_ =	shalt  }
0x5f: {  	_ =	shalt  }
0x60: {  	_ =	shalt  }
0x61: {  	_ =	shalt  }
0x62: {  	_ =	shalt  }
0x63: {  	_ =	shalt  }
0x64: {  	_ =	shalt  }
0x65: {  	_ =	shalt  }
0x66: {  	_ =	shalt  }
0x67: {  	_ =	shalt  }
0x68: {  	_ =	shalt  }
0x69: {  	_ =	shalt  }
0x6a: {  	_ =	shalt  }
0x6b: {  	_ =	shalt  }
0x6c: {  	_ =	shalt  }
0x6d: {  	_ =	shalt  }
0x6e: {  	_ =	shalt  }
0x6f: {  	_ =	shalt  }
0x70: {  	_ =	shalt  }
0x71: {  	_ =	shalt  }
0x72: {  	_ =	shalt  }
0x73: {  	_ =	shalt  }
0x74: {  	_ =	shalt  }
0x75: {  	_ =	shalt  }
0x76: {  	_ =	shalt  }
0x77: {  	_ =	shalt  }
0x78: {  	_ =	shalt  }
0x79: {  	_ =	shalt  }
0x7a: {  	_ =	shalt  }
0x7b: {  	_ =	shalt  }
0x7c: {  	_ =	shalt  }
0x7d: {  	_ =	shalt  }
0x7e: {  	_ =	shalt  }
0x7f: {  	_ =	shalt  }
0x80: {  	_ =	shalt  }
0x81: {  	_ =	shalt  }
0x82: {  	_ =	shalt  }
0x83: {  	_ =	shalt  }
0x84: {  	_ =	shalt  }
0x85: {  	_ =	shalt  }
0x86: {  	_ =	shalt  }
0x87: {  	_ =	shalt  }
.Lfunc_end0:
.L_simem_size_0:
called_computation_lowered:
.L_overlay_start_0:
0x88: {  	s0 =	sld [smem:$0x3FD9]  }
0x89: {  	s1 =	sld [smem:$0x3FFE];
	_ =	sdelay $0x3  }
0x8a: {  	s0 =	sadd.s32 s1, s0  }
0x8b: {  	[smem:$0x3FC6] =	sst s0  }
0x8c: {  	_ = 	snop  }
0x8d: {  	s0 =	sld [smem:$0x3FC9]  }
0x8e: {  	s17 =	sld [smem:$0x3FC8]  }
0x8f: {  	s2 =	sld [smem:$0x3FD0];
	(tm) =	ssettm $0x1  }
0x90: {  	s3 =	sld [smem:$0x3FFB];
	_ =	sdelay $0x3  }
0x91: {  	_ =	strace s3  }
0x92: {  	s3 =	sld [smem:$0x3FFC];
	_ =	sdelay $0x3  }
0x93: {  	_ =	strace s3  }
0x94: {  	s3 =	sld [smem:$0x3FFD];
	_ =	sdelay $0x3  }
0x95: {  	_ =	strace s3  }
0x96: {  	_ =	strace $0x8FFFFFFF  }
0x97: {  	s18 =	sld [smem:$0x3FDB];
	_ =	sdelay $0x1  }
0x98: {  	s4 =	simm.s32 $_scs_section_size  }
0x99: {  	s5 =	simm.s32 $_size__tile_overlayer_lowered;
	s6 =	simm.s32 $_tile_overlayer_lowered  }
0x9a: {  	s21 =	simm.s32 $0x1BFF;
	s20 =	sshll.u32 s6, $0x1;
	s3 =	sadd.s32 s4, s18  }
0x9b: {  	s7 =	simm.s32 $0x0;
	s19 =	sshll.u32 s5, $0x1;
	s5 =	sadd.s32 s20, s3  }
0x9c: {  	[timem:s7], [sflag:s21] =	dma.local [hbm:s5], s19  }
0x9d: {  	_ =	swait.ge [sflag:s21], s19  }
0x9e: {  	s4 =	ssub.s32 $0x0, s19;
	[sflag:s21] =	ssyncset.done $0x0  }
0x9f: {  	[sflag:s21] =	ssyncadd.s32 s4;
	_ =	sdelay $0x1  }
0xa0: {  	s22 =	simm.s32 $0x1B8B  }
0xa1: {  	_ =	swait.ge [sflag:s22], $0x1  }
0xa2: {  	[sflag:s22] =	ssyncset.done $0x0  }
0xa3: {  	s23 =	simm.s32 $0x1B8E;
	[sflag:s22] =	ssyncadd.s32 $0xFFFFFFFF  }
0xa4: {  	s24 =	simm.s32 $execute0_lowered;
	[smem:$0x3FD2] =	sst s23  }
0xa5: {  	s4 =	sshll.u32 s24, $0x1;
	_ =	strace $0x80000046;
	[dreg:$0x1] =	wrdreg $0xFFFFFFFF  }
0xa6: {  	s25 =	simm.s32 $_size_execute0_lowered;
	s3 =	sadd.s32 s3, s4;
	[dreg:$0x0] =	wrdreg $0x0  }
0xa7: {  	s4 =	sshll.u32 s25, $0x1;
	[dreg:$0x2] =	wrdreg s3  }
0xa8: {  	[dreg:$0x3] =	wrdreg s4  }
0xa9: {  	[dreg:$0x4] =	wrdreg $0xC0  }
0xaa: {  	_ =	task [dreg:s7], $0x5FFFF  }
0xab: {  	[dreg:$0x1] =	wrdreg $0xFFFFFFFF  }
0xac: {  	[dreg:$0x0] =	wrdreg $0x60  }
0xad: {  	[dreg:$0x2] =	wrdreg s0  }
0xae: {  	[dreg:$0x3] =	wrdreg s17  }
0xaf: {  	[dreg:$0x4] =	wrdreg s2  }
0xb0: {  	[dreg:$0x5] =	wrdreg $0x2D000  }
0xb1: {  	[dreg:$0x6] =	wrdreg $0x9  }
0xb2: {  	_ =	task.clear_ibuf [dreg:s7], $0x7FFFF;
	_ =	strace $0x90000046  }
0xb3: {  	s26 =	simm.s32 $0x9;
	_ =	strace $0x80000048  }
0xb4: {  	_ =	swait.ge [sflag:s26], $0x1  }
0xb5: {  	[sflag:s26] =	ssyncadd.s32 $0xFFFFFFFF  }
0xb6: {  	_ =	strace $0x90000048  }
0xb7: {  	_ =	sfence  }
0xb8: {  	s28 =	sld [smem:$0x0];
	_ =	sdelay $0x1  }
0xb9: {  	s29 =	srdreg.scid  }
0xba: {  	s30 =	sshll.u32 s29, $0xD;
	s31 =	sshrl.u32 s29, $0x2  }
0xbb: {  	s1 =	sand.u32 $0x1, s29;
	s2 =	sand.u32 $0x4000, s30;
	s0 =	sadd.s32 s31, s28  }
0xbc: {  	s1 =	sor.u32 s2, s1;
	s0 =	sshll.u32 s0, $0x11  }
0xbd: {  	s0 =	sor.u32 s0, s1  }
0xbe: {  	s0 =	sadd.s32 $0x8F2B, s0  }
0xbf: {  	[sflag:s0] =	ssyncadd.remote.s32 $0x1  }
0xc0: {  	_ =	sfence.sel $0xFFFF  }
0xc1: {  	[dreg:$0x0] =	wrdreg $0xFFFFFFFF;
	(pc) =	sbr.abs _section_cstart, $3  }
0xc2: {  	[dreg:$0x1] =	wrdreg $0xFFFFFFFF  }
0xc3: {  	_ =	task.clear_ibuf [dreg:s7], $0x2FFFF;
	_ =	strace $0x9FFFFFFF  }
0xc4: {  	(tm) =	ssettm $0x7FFFFFFF  }
0xc5: {  	_ =	shalt  }
tec
execute0_lowered:
.L_overlay_start_1:
0x0: {  	(tag) =	ssettag $0x1  }
0x1: {  	s4 =	rddreg [dreg:$0x0]  }
0x2: {  	s6 =	rddreg [dreg:$0x1]  }
0x3: {  	s2 =	rddreg [dreg:$0x2];
	s0 =	stileid.u32  }
0x4: {  	s3 =	rddreg [dreg:$0x3];
	s7 =	smul.u32 $0x1880, s0  }
0x5: {  	s1 =	rddreg [dreg:$0x4];
	s8 =	simm.s32 $0x0  }
0x6: {  	[smem:$0x7FF] =	sst s8;
	s5 =	sshrl.u32 s7, $0x3  }
0x7: {  	_ =	strace $0x80000047;
	s9 =	sadd.s32 s6, s5;
	s5 =	sshll.u32 s0, $0x7  }
0x8: {  	[tilespmem:s8], [sflag:$0x1] =	stream.linear.gather [hbm4b:s9+s8], $0x1720, $0x38;
	[tilespmem:$0x2D30] =	vst v63  }
0x9: {  	s31 =	simm.s32 $0x1880;
	p0 =	seq.s32 s0, $0xF;
	s4 =	sadd.s32 s4, s5  }
0xa: {  	[tilespmem:s31], [sflag:$0x2] =	stream.linear.gather [hbm4b:s4+s8], $0x400, $0x38;
	[tilespmem:$0x2D30] =	vst v63  }
0xb: {  	s4 =	sshrl.u32 @!p0 s7, $0x3  }
0xc: {  	s10 =	simm.s32 $0x2;
	s4 =	sadd.s32 @!p0 s6, s4  }
0xd: {  	s7 =	simm.s32 @!p0 $0x0;
	s8 =	simm.s32 @!p0 $0x1720;
	s4 =	sadd.s32 @!p0 $0x2E4, s4  }
0xe: {  	[tilespmem:s8], [sflag:$0x1] =	stream.linear.gather @!p0 [hbm4b:s4+s7], $0x160, $0x38;
	[tilespmem:$0x2D30] =	vst v63  }
0xf: {  	_ =	swait.ge [sflag:s10], $0x400  }
0x10: {  	[sflag:s10] =	ssyncset.done $0x0  }
0x11: {  	s11 =	simm.s32 $0x80;
	s12 =	simm.s32 $0x1C80;
	[sflag:s10] =	ssyncadd.s32 $0xFFFFFC00  }
0x12: {  	[tilespmem:s12], [sflag:$0x3] =	stream.indirect.gather [hbm4b:s6+s11], $0x1, s31, s11, $0xb8;
	[tilespmem:$0x2D30] =	vst v63  }
0x13: {  	s13 =	simm.s32 $0x1900;
	s14 =	simm.s32 $0x1D00  }
0x14: {  	[tilespmem:s14], [sflag:$0x3] =	stream.indirect.gather [hbm4b:s6+s11], $0x1, s13, s11, $0xb8;
	[tilespmem:$0x2D30] =	vst v63  }
0x15: {  	s15 =	simm.s32 $0x1980;
	s16 =	simm.s32 $0x1D80  }
0x16: {  	[tilespmem:s16], [sflag:$0x3] =	stream.indirect.gather [hbm4b:s6+s11], $0x1, s15, s11, $0xb8;
	[tilespmem:$0x2D30] =	vst v63  }
0x17: {  	s17 =	simm.s32 $0x1A00;
	s18 =	simm.s32 $0x1E00  }
0x18: {  	[tilespmem:s18], [sflag:$0x3] =	stream.indirect.gather [hbm4b:s6+s11], $0x1, s17, s11, $0xb8;
	[tilespmem:$0x2D30] =	vst v63  }
0x19: {  	s19 =	simm.s32 $0x1A80;
	s20 =	simm.s32 $0x1E80  }
0x1a: {  	[tilespmem:s20], [sflag:$0x3] =	stream.indirect.gather [hbm4b:s6+s11], $0x1, s19, s11, $0xb8;
	[tilespmem:$0x2D30] =	vst v63  }
0x1b: {  	s21 =	simm.s32 $0x1B00;
	s22 =	simm.s32 $0x1F00  }
0x1c: {  	[tilespmem:s22], [sflag:$0x3] =	stream.indirect.gather [hbm4b:s6+s11], $0x1, s21, s11, $0xb8;
	[tilespmem:$0x2D30] =	vst v63  }
0x1d: {  	s23 =	simm.s32 $0x1B80;
	s24 =	simm.s32 $0x1F80  }
0x1e: {  	[tilespmem:s24], [sflag:$0x3] =	stream.indirect.gather [hbm4b:s6+s11], $0x1, s23, s11, $0xb8;
	[tilespmem:$0x2D30] =	vst v63  }
0x1f: {  	s25 =	simm.s32 $0x1C00;
	s26 =	simm.s32 $0x2000;
	s28 =	simm.s32 $0x1  }
0x20: {  	[tilespmem:s26], [sflag:$0x3] =	stream.indirect.gather [hbm4b:s6+s11], $0x1, s25, s11, $0xb8;
	[tilespmem:$0x2D30] =	vst v63  }
0x21: {  	_ =	swait.ge [sflag:s28], $0x1720  }
0x22: {  	[sflag:s28] =	ssyncset.done $0x0  }
0x23: {  	s4 =	simm.s32 @!p0 $0x1;
	[sflag:s28] =	ssyncadd.s32 $0xFFFFE8E0  }
0x24: {  	_ =	swait.ge @!p0 [sflag:s4], $0x160  }
0x25: {  	[sflag:s4] =	ssyncset.done @!p0 $0x0  }
0x26: {  	s29 =	simm.s32 $0x0;
	[sflag:s4] =	ssyncadd.s32 @!p0 $0xFFFFFEA0  }
0x27: {  	v0 =	vld [tilespmem:s29+$0x10];
	_ =	sdelay $0x2  }
0x28: {  	v1 =	vld [tilespmem:s29+$0x0];
	_ =	sdelay $0x1  }
0x29: {  	v0 =	vmul.f32 $1.442695020e+00, v0  }
0x2a: {  	s30 =	simm.s32 $0x20  }
0x2b: {  	(erf) = vpow2.f32 v0;
	v0 =	vld [tilespmem:s30+$0x10]  }
0x2c: {  	v2 =	vld [tilespmem:s30+$0x0];
	v1 =	vmul.f32 $1.442695020e+00, v1;
	_ =	sdelay $0x1  }
0x2d: {  	(erf) = vpow2.f32 v1;
	_ =	sdelay $0x1  }
0x2e: {  	v0 =	vmul.f32 $1.442695020e+00, v0  }
0x2f: {  	s31 =	simm.s32 $0x40;
	v1 =	vmul.f32 $1.442695020e+00, v2  }
0x30: {  	v3 =	vld [tilespmem:s31+$0x10];
	(erf) = vpow2.f32 v0  }
0x31: {  	v4 =	vld [tilespmem:s31+$0x0];
	(erf) = vpow2.f32 v1;
	_ =	sdelay $0x1  }
0x32: {  	s3 =	sadd.s32 $0x1000, s3  }
0x33: {  	s2 =	sadd.s32 s2, s5;
	s4 =	sadd.s32 s5, s3;
	s5 =	simm.s32 $0x180;
	v0 =	vimm.f32 $0.0e+00;
	v1 =	vimm.f32 $0.0e+00;
	v2 =	vpop (erf)  }
.LBB2_1:
0x34: {  	s6 =	sshra.s32 s5, $0x2;
	p1 =	sne.s32 s5, $0x5C00;
	s5 =	sadd.s32 $0x80, s5;
	v5 =	vmul.f32 $1.442695020e+00, v3;
	v0 =	vadd.f32 v2, v0;
	v2 =	vpop (erf)  }
.Ltmp0:
0x35: {  	v3 =	vld [tilespmem:s6+$0x10];
	v6 =	vmul.f32 $1.442695020e+00, v4;
	v1 =	vadd.f32 v2, v1;
	(pc) =	sbr.rel @p1 .LBB2_1-.Ltmp0, $3  }
0x36: {  	v4 =	vld [tilespmem:s6+$0x0];
	(erf) = vpow2.f32 v5  }
0x37: {  	(erf) = vpow2.f32 v6;
	_ =	sdelay $0x1  }
0x38: {  	v2 =	vpop (erf)  }
0x39: {  	v5 =	vld [tilespmem:$0x1720]  }
0x3a: {  	v6 =	vld [tilespmem:$0x1730]  }
0x3b: {  	v7 =	vld [tilespmem:$0x1740]  }
0x3c: {  	v3 =	vmul.f32 $1.442695020e+00, v3;
	v8 =	vld [tilespmem:$0x1750]  }
0x3d: {  	v9 =	vld [tilespmem:$0x1760];
	v4 =	vmul.f32 $1.442695020e+00, v4  }
0x3e: {  	(erf) = vpow2.f32 v3;
	v3 =	vmul.f32 $1.442695020e+00, v5;
	v5 =	vld [tilespmem:$0x1770]  }
0x3f: {  	(erf) = vpow2.f32 v4;
	v4 =	vmul.f32 $1.442695020e+00, v6;
	v6 =	vld [tilespmem:$0x1780]  }
0x40: {  	(erf) = vpow2.f32 v3;
	v3 =	vmul.f32 $1.442695020e+00, v7;
	v7 =	vld [tilespmem:$0x1790]  }
0x41: {  	v49 =	vld [tilespmem:$0x17A0];
	(erf) = vpow2.f32 v4;
	v4 =	vmul.f32 $1.442695020e+00, v8  }
0x42: {  	v50 =	vld [tilespmem:$0x17B0];
	(erf) = vpow2.f32 v3;
	v3 =	vmul.f32 $1.442695020e+00, v9  }
0x43: {  	(erf) = vpow2.f32 v4;
	v4 =	vmul.f32 $1.442695020e+00, v5;
	v5 =	vld [tilespmem:$0x17C0]  }
0x44: {  	v10 =	vpop (erf);
	(erf) = vpow2.f32 v3;
	v3 =	vmul.f32 $1.442695020e+00, v6;
	v6 =	vld [tilespmem:$0x17D0]  }
0x45: {  	v11 =	vpop (erf);
	(erf) = vpow2.f32 v4;
	v4 =	vmul.f32 $1.442695020e+00, v7  }
0x46: {  	v12 =	vpop (erf);
	v7 =	vld [tilespmem:$0x17E0];
	(erf) = vpow2.f32 v3;
	v3 =	vmul.f32 $1.442695020e+00, v49  }
0x47: {  	v51 =	vld [tilespmem:$0x17F0];
	v13 =	vpop (erf);
	(erf) = vpow2.f32 v4;
	v4 =	vmul.f32 $1.442695020e+00, v50  }
0x48: {  	v52 =	vld [tilespmem:$0x1800];
	v14 =	vpop (erf);
	(erf) = vpow2.f32 v3;
	v3 =	vmul.f32 $1.442695020e+00, v5  }
0x49: {  	v5 =	vld [tilespmem:$0x1810];
	v15 =	vpop (erf);
	(erf) = vpow2.f32 v4;
	v4 =	vmul.f32 $1.442695020e+00, v6  }
0x4a: {  	v6 =	vld [tilespmem:$0x1820];
	v16 =	vpop (erf);
	(erf) = vpow2.f32 v3  }
0x4b: {  	v3 =	vmul.f32 $1.442695020e+00, v7;
	v7 =	vld [tilespmem:$0x1830];
	v16 =	vadd.f32 $0.0e+00, v16;
	v17 =	vpop (erf);
	(erf) = vpow2.f32 v4  }
0x4c: {  	v53 =	vld [tilespmem:$0x1840];
	v15 =	vadd.f32 $0.0e+00, v15;
	v4 =	vmul.f32 $1.442695020e+00, v51;
	v54 =	vpop (erf)  }
0x4d: {  	v55 =	vld [tilespmem:$0x1850];
	(erf) = vpow2.f32 v3;
	v3 =	vmul.f32 $1.442695020e+00, v52;
	v16 =	vadd.f32 v54, v16;
	v56 =	vpop (erf)  }
0x4e: {  	v15 =	vadd.f32 v17, v15;
	(erf) = vpow2.f32 v4;
	v4 =	vmul.f32 $1.442695020e+00, v5;
	v5 =	vld [tilespmem:$0x1860];
	v57 =	vpop (erf)  }
0x4f: {  	(erf) = vpow2.f32 v3;
	v3 =	vmul.f32 $1.442695020e+00, v6;
	v6 =	vld [tilespmem:$0x1870];
	v16 =	vadd.f32 v57, v16;
	v58 =	vpop (erf)  }
0x50: {  	v15 =	vadd.f32 v56, v15;
	(erf) = vpow2.f32 v4;
	v4 =	vmul.f32 $1.442695020e+00, v7;
	v59 =	vpop (erf)  }
0x51: {  	(erf) = vpow2.f32 v3;
	v3 =	vmul.f32 $1.442695020e+00, v53;
	v60 =	vadd.f32 v59, v16;
	v61 =	vpop (erf)  }
0x52: {  	v7 =	vadd.f32 v58, v15;
	(erf) = vpow2.f32 v4;
	v4 =	vmul.f32 $1.442695020e+00, v55;
	v62 =	vpop (erf)  }
0x53: {  	(erf) = vpow2.f32 v3;
	v3 =	vmul.f32 $1.442695020e+00, v5;
	v5 =	vadd.f32 v62, v60;
	v63 =	vpop (erf)  }
0x54: {  	(erf) = vpow2.f32 v4;
	v4 =	vmul.f32 $1.442695020e+00, v6;
	v6 =	vpop (erf)  }
0x55: {  	v7 =	vadd.f32 v61, v7;
	v5 =	vadd.f32 v6, v5;
	_ =	sdelay $0x1  }
0x56: {  	(erf) = vpow2.f32 v3;
	v3 =	vadd.f32 v63, v7;
	v6 =	vpop (erf)  }
0x57: {  	(erf) = vpow2.f32 v4;
	v4 =	vpop (erf)  }
0x58: {  	v3 =	vadd.f32 v6, v3;
	v4 =	vadd.f32 v4, v5;
	v5 =	vpop (erf)  }
0x59: {  	v6 =	vpop (erf)  }
0x5a: {  	v3 =	vadd.f32 v5, v3;
	v4 =	vadd.f32 v6, v4;
	v5 =	vpop (erf)  }
0x5b: {  	v6 =	vpop (erf)  }
0x5c: {  	v4 =	vadd.f32 v6, v4;
	_ =	sdelay $0x1  }
0x5d: {  	v3 =	vadd.f32 v5, v3;
	v5 =	vpop (erf)  }
0x5e: {  	v0 =	vadd.f32 v2, v0;
	v1 =	vadd.f32 v10, v1;
	v2 =	vpop (erf)  }
0x5f: {  	v3 =	vadd.f32 v5, v3;
	v2 =	vadd.f32 v2, v4;
	v4 =	vpop (erf)  }
0x60: {  	v0 =	vadd.f32 v11, v0;
	v1 =	vadd.f32 v12, v1;
	v5 =	vpop (erf)  }
0x61: {  	v3 =	vadd.f32 v4, v3;
	v2 =	vadd.f32 v5, v2  }
0x62: {  	v0 =	vadd.f32 v13, v0;
	v1 =	vadd.f32 v14, v1  }
0x63: {  	v2 =	vadd.f32 v2, v3  }
0x64: {  	v0 =	vadd.f32 v0, v1  }
0x65: {  	v1 =	vpsel p0, $0x0, v2  }
0x66: {  	v0 =	vadd.f32 v1, v0;
	_ =	sdelay $0x1  }
0x67: {  	s5 =	simm.s32 $0x2480;
	s25 =	simm.s32 $0x4;
	[tilespmem:$0x2480] =	vst v0  }
0x68: {  	[spmem:s4] =	stream.linear.scatter [tilespmem:s5], [sflag:$0x4], $0x80, $0x38;
	[tilespmem:$0x2D30] =	vst v63  }
0x69: {  	_ =	swait.ge [sflag:s25], $0x80  }
0x6a: {  	[sflag:s25] =	ssyncset.done $0x0  }
0x6b: {  	[sflag:s25] =	ssyncadd.s32 $0xFFFFFF80  }
0x6c: {  	s26 =	simm.s32 $0x2500;
	s28 =	simm.s32 $0x3;
	[bflag:$0x0] =	sbarrier.arrive $0xFFFF  }
0x6d: {  	[tilespmem:s26], [sflag:$0x1] =	stream.linear.gather [spmem:s3], $0x800, $0x38;
	[tilespmem:$0x2D30] =	vst v63  }
0x6e: {  	_ =	swait.ge [sflag:s28], $0x80  }
0x6f: {  	[sflag:s28] =	ssyncset.done $0x0  }
0x70: {  	[sflag:s28] =	ssyncadd.s32 $0xFFFFFF80  }
0x71: {  	_ =	swait.ge [sflag:s28], $0x80  }
0x72: {  	[sflag:s28] =	ssyncset.done $0x0  }
0x73: {  	[sflag:s28] =	ssyncadd.s32 $0xFFFFFF80  }
0x74: {  	_ =	swait.ge [sflag:s28], $0x80  }
0x75: {  	[sflag:s28] =	ssyncset.done $0x0  }
0x76: {  	[sflag:s28] =	ssyncadd.s32 $0xFFFFFF80  }
0x77: {  	_ =	swait.ge [sflag:s28], $0x80  }
0x78: {  	[sflag:s28] =	ssyncset.done $0x0  }
0x79: {  	[sflag:s28] =	ssyncadd.s32 $0xFFFFFF80  }
0x7a: {  	_ =	swait.ge [sflag:s28], $0x80  }
0x7b: {  	[sflag:s28] =	ssyncset.done $0x0  }
0x7c: {  	[sflag:s28] =	ssyncadd.s32 $0xFFFFFF80  }
0x7d: {  	_ =	swait.ge [sflag:s28], $0x80  }
0x7e: {  	[sflag:s28] =	ssyncset.done $0x0  }
0x7f: {  	[sflag:s28] =	ssyncadd.s32 $0xFFFFFF80  }
0x80: {  	_ =	swait.ge [sflag:s28], $0x80  }
0x81: {  	[sflag:s28] =	ssyncset.done $0x0  }
0x82: {  	[sflag:s28] =	ssyncadd.s32 $0xFFFFFF80  }
0x83: {  	_ =	swait.ge [sflag:s28], $0x80  }
0x84: {  	[sflag:s28] =	ssyncset.done $0x0  }
0x85: {  	s29 =	simm.s32 $0x1CA0;
	[sflag:s28] =	ssyncadd.s32 $0xFFFFFF80  }
0x86: {  	v0 =	vld [tilespmem:s29+$0x0]  }
0x87: {  	v1 =	vld [tilespmem:s29+$0xFFFFFFE0];
	_ =	sdelay $0x2  }
0x88: {  	v2 =	vld [tilespmem:s29+$0xFFFFFFF0]  }
0x89: {  	s30 =	simm.s32 $0x1CE0;
	v3 =	vld [tilespmem:s29+$0x10];
	v0 =	vmul.f32 $1.442695020e+00, v0  }
0x8a: {  	v4 =	vld [tilespmem:s30+$0x0];
	v1 =	vmul.f32 $1.442695020e+00, v1  }
0x8b: {  	(erf) = vpow2.f32 v0;
	v0 =	vld [tilespmem:s30+$0xFFFFFFE0]  }
0x8c: {  	(erf) = vpow2.f32 v1;
	v1 =	vld [tilespmem:s30+$0xFFFFFFF0]  }
0x8d: {  	v2 =	vmul.f32 $1.442695020e+00, v2  }
0x8e: {  	v5 =	vld [tilespmem:s30+$0x10];
	v3 =	vmul.f32 $1.442695020e+00, v3  }
0x8f: {  	(erf) = vpow2.f32 v2  }
0x90: {  	v2 =	vmul.f32 $1.442695020e+00, v4;
	(erf) = vpow2.f32 v3  }
0x91: {  	s31 =	simm.s32 $0x1D20;
	v3 =	vmul.f32 $1.442695020e+00, v0;
	v6 =	vmul.f32 $1.442695020e+00, v1  }
0x92: {  	v4 =	vld [tilespmem:s31+$0x0];
	(erf) = vpow2.f32 v2  }
0x93: {  	v5 =	vmul.f32 $1.442695020e+00, v5;
	(erf) = vpow2.f32 v3  }
0x94: {  	v0 =	vld [tilespmem:s31+$0xFFFFFFE0];
	(erf) = vpow2.f32 v6  }
0x95: {  	v1 =	vld [tilespmem:s31+$0xFFFFFFF0];
	v6 =	vpop (erf);
	(erf) = vpow2.f32 v5  }
0x96: {  	s3 =	simm.s32 $0x20A0;
	v2 =	vld [tilespmem:s31+$0x10]  }
0x97: {  	s6 =	simm.s32 $0x1D60;
	s5 =	simm.s32 $0x8;
	s4 =	simm.s32 $0x20A0;
	v3 =	vmul.f32 $1.442695020e+00, v4;
	[tilespmem:s3+$0x0] =	vst v6;
	v4 =	vpop (erf)  }
.LBB2_3:
0x98: {  	s5 =	sadd.s32 $0x4, s5  }
0x99: {  	v5 =	vld [tilespmem:s6+$0x0];
	v6 =	vmul.f32 $1.442695020e+00, v0;
	[tilespmem:s3+$0xFFFFFFE0] =	vst v4;
	s4 =	sadd.s32 $0x40, s4;
	v4 =	vpop (erf);
	p0 =	slt.u32 s5, $0x3C  }
.Ltmp1:
0x9a: {  	v0 =	vld [tilespmem:s6+$0xFFFFFFE0];
	v7 =	vmul.f32 $1.442695020e+00, v1;
	(erf) = vpow2.f32 v3;
	[tilespmem:s3+$0xFFFFFFF0] =	vst v4;
	v3 =	vpop (erf);
	(pc) =	sbr.rel @p0 .LBB2_3-.Ltmp1, $4  }
0x9b: {  	v1 =	vld [tilespmem:s6+$0xFFFFFFF0];
	v8 =	vmul.f32 $1.442695020e+00, v2;
	(erf) = vpow2.f32 v6;
	[tilespmem:s3+$0x10] =	vst v3;
	s3 =	smov.u32 s4  }
0x9c: {  	v2 =	vld [tilespmem:s6+$0x10];
	(erf) = vpow2.f32 v7  }
0x9d: {  	(erf) = vpow2.f32 v8;
	v4 =	vpop (erf)  }
0x9e: {  	s6 =	sadd.s32 $0x40, s6;
	v3 =	vmul.f32 $1.442695020e+00, v5;
	[tilespmem:s4+$0x0] =	vst v4;
	v4 =	vpop (erf)  }
0x9f: {  	v0 =	vmul.f32 $1.442695020e+00, v0  }
0xa0: {  	v1 =	vmul.f32 $1.442695020e+00, v1;
	(erf) = vpow2.f32 v3  }
0xa1: {  	v2 =	vmul.f32 $1.442695020e+00, v2;
	(erf) = vpow2.f32 v0  }
0xa2: {  	(erf) = vpow2.f32 v1  }
0xa3: {  	[tilespmem:s3+$0xFFFFFFE0] =	vst v4;
	v0 =	vpop (erf);
	(erf) = vpow2.f32 v2  }
0xa4: {  	v1 =	vpop (erf);
	[tilespmem:s3+$0xFFFFFFF0] =	vst v0  }
0xa5: {  	s4 =	sadd.s32 $0x40, s4;
	[tilespmem:s3+$0x10] =	vst v1;
	v0 =	vpop (erf)  }
0xa6: {  	[tilespmem:s4+$0x0] =	vst v0;
	v0 =	vpop (erf)  }
0xa7: {  	[tilespmem:s4+$0xFFFFFFE0] =	vst v0;
	v0 =	vpop (erf)  }
0xa8: {  	[tilespmem:s4+$0xFFFFFFF0] =	vst v0;
	v0 =	vpop (erf)  }
0xa9: {  	s30 =	sadd.s32 $0x40, s4;
	[tilespmem:s4+$0x10] =	vst v0;
	v0 =	vpop (erf)  }
0xaa: {  	[tilespmem:s30+$0x0] =	vst v0;
	v0 =	vpop (erf)  }
0xab: {  	[tilespmem:s30+$0xFFFFFFE0] =	vst v0;
	v0 =	vpop (erf)  }
0xac: {  	[tilespmem:s30+$0xFFFFFFF0] =	vst v0;
	v0 =	vpop (erf)  }
0xad: {  	s31 =	simm.s32 $0x1;
	[tilespmem:s30+$0x10] =	vst v0  }
0xae: {  	_ =	swait.ge [sflag:s31], $0x800  }
0xaf: {  	[sflag:s31] =	ssyncset.done $0x0  }
0xb0: {  	[sflag:s31] =	ssyncadd.s32 $0xFFFFF800  }
0xb1: {  	v0 =	vld [tilespmem:$0x2500];
	_ =	sdelay $0x1  }
0xb2: {  	v1 =	vld [tilespmem:$0x2580];
	_ =	sdelay $0x1  }
0xb3: {  	v2 =	vld [tilespmem:$0x2600]  }
0xb4: {  	v0 =	vadd.f32 $0.0e+00, v0  }
0xb5: {  	v3 =	vld [tilespmem:$0x2680]  }
0xb6: {  	v0 =	vadd.f32 v1, v0  }
0xb7: {  	v1 =	vld [tilespmem:$0x2700]  }
0xb8: {  	v0 =	vadd.f32 v2, v0  }
0xb9: {  	v2 =	vld [tilespmem:$0x2780]  }
0xba: {  	v0 =	vadd.f32 v3, v0  }
0xbb: {  	v3 =	vld [tilespmem:$0x2800]  }
0xbc: {  	v0 =	vadd.f32 v1, v0  }
0xbd: {  	v1 =	vld [tilespmem:$0x2880]  }
0xbe: {  	v0 =	vadd.f32 v2, v0  }
0xbf: {  	v2 =	vld [tilespmem:$0x2900]  }
0xc0: {  	v0 =	vadd.f32 v3, v0  }
0xc1: {  	v3 =	vld [tilespmem:$0x2980]  }
0xc2: {  	v0 =	vadd.f32 v1, v0  }
0xc3: {  	v1 =	vld [tilespmem:$0x2A00]  }
0xc4: {  	v0 =	vadd.f32 v2, v0  }
0xc5: {  	v2 =	vld [tilespmem:$0x2A80]  }
0xc6: {  	v0 =	vadd.f32 v3, v0  }
0xc7: {  	v3 =	vld [tilespmem:$0x2B00]  }
0xc8: {  	v0 =	vadd.f32 v1, v0  }
0xc9: {  	v1 =	vld [tilespmem:$0x2B80]  }
0xca: {  	v0 =	vadd.f32 v2, v0  }
0xcb: {  	v2 =	vld [tilespmem:$0x2C00]  }
0xcc: {  	v0 =	vadd.f32 v3, v0  }
0xcd: {  	v4 =	vimm.s32 $0xFEDCBA98;
	v3 =	vld [tilespmem:$0x2C80]  }
0xce: {  	v4 =	vunpack.c.l.s4.s8 v4;
	v0 =	vadd.f32 v1, v0;
	v1 =	vimm.s32 $0x76543210  }
0xcf: {  	v1 =	vunpack.c.l.s4.s8 v1  }
0xd0: {  	v0 =	vadd.f32 v2, v0;
	v2 =	vunpack.c.0.s8.s32 v4  }
0xd1: {  	v1 =	vunpack.c.0.s8.s32 v1  }
0xd2: {  	v0 =	vadd.f32 v3, v0;
	v2 =	vand.u32 $0xF, v2  }
0xd3: {  	v3 =	vimm.s32 $0x32107654;
	v1 =	vcombine.low v2, v1;
	v2 =	vimm.s32 $0xBA98FEDC  }
0xd4: {  	v3 =	vunpack.c.l.s4.s8 v3;
	v2 =	vunpack.c.l.s4.s8 v2  }
0xd5: {  	v1 =	vperm.xlane v0, v1  }
0xd6: {  	v3 =	vunpack.c.0.s8.s32 v3;
	v2 =	vunpack.c.0.s8.s32 v2  }
0xd7: {  	v0 =	vadd.f32 v1, v0  }
0xd8: {  	v1 =	vcombine.low v3, v2;
	v2 =	vimm.s32 $0xDCFE98BA;
	v3 =	vimm.s32 $0x54761032  }
0xd9: {  	v2 =	vunpack.c.l.s4.s8 v2;
	v3 =	vunpack.c.l.s4.s8 v3  }
0xda: {  	v1 =	vperm.xlane v0, v1  }
0xdb: {  	v2 =	vunpack.c.0.s8.s32 v2;
	v3 =	vunpack.c.0.s8.s32 v3  }
0xdc: {  	v4 =	vimm.s32 $0x67452301;
	v0 =	vadd.f32 v1, v0;
	v1 =	vimm.s32 $0xEFCDAB89  }
0xdd: {  	v2 =	vcombine.low v3, v2;
	v1 =	vunpack.c.l.s4.s8 v1;
	v3 =	vunpack.c.l.s4.s8 v4;
	_ =	sdelay $0x1  }
0xde: {  	v2 =	vperm.xlane v0, v2;
	v1 =	vunpack.c.0.s8.s32 v1;
	v3 =	vunpack.c.0.s8.s32 v3;
	_ =	sdelay $0x1  }
0xdf: {  	v0 =	vadd.f32 v2, v0;
	v1 =	vcombine.low v3, v1;
	_ =	sdelay $0x1  }
0xe0: {  	v1 =	vperm.xlane v0, v1;
	_ =	sdelay $0x1  }
0xe1: {  	v0 =	vadd.f32 v1, v0;
	_ =	sdelay $0x1  }
0xe2: {  	(erf) = vrcp.f32 v0;
	_ =	sdelay $0x3  }
0xe3: {  	s4 =	simm.s32 $0x20A0  }
0xe4: {  	v1 =	vld [tilespmem:s4+$0xFFFFFFE0]  }
0xe5: {  	v3 =	vld [tilespmem:s4+$0x10]  }
0xe6: {  	v4 =	vld [tilespmem:s4+$0x0];
	_ =	sdelay $0x1  }
0xe7: {  	v5 =	vld [tilespmem:s4+$0xFFFFFFF0];
	v0 =	vpop (erf)  }
0xe8: {  	s3 =	simm.s32 $0x20E0;
	v6 =	vmul.f32 v1, v0  }
0xe9: {  	v2 =	vld [tilespmem:s3+$0xFFFFFFE0];
	v7 =	vmul.f32 v3, v0  }
0xea: {  	v1 =	vld [tilespmem:s3+$0x10];
	[tilespmem:s4+$0xFFFFFFE0] =	vst v6;
	v6 =	vmul.f32 v4, v0  }
0xeb: {  	v3 =	vld [tilespmem:s3+$0x0];
	[tilespmem:s4+$0x10] =	vst v7  }
0xec: {  	s5 =	simm.s32 $0x4;
	v5 =	vmul.f32 v5, v0;
	v4 =	vld [tilespmem:s3+$0xFFFFFFF0];
	[tilespmem:s4+$0x0] =	vst v6  }
.LBB2_5:
0xed: {  	s5 =	sadd.s32 $0x4, s5  }
0xee: {  	[tilespmem:s4+$0xFFFFFFF0] =	vst v5;
	s4 =	smov.u32 s3;
	p0 =	slt.u32 s5, $0x3C  }
.Ltmp2:
0xef: {  	s3 =	sadd.s32 $0x40, s3;
	v5 =	vmul.f32 v2, v0;
	(pc) =	sbr.rel @p0 .LBB2_5-.Ltmp2, $4  }
0xf0: {  	v2 =	vld [tilespmem:s3+$0xFFFFFFE0];
	v6 =	vmul.f32 v1, v0  }
0xf1: {  	v1 =	vld [tilespmem:s3+$0x10];
	[tilespmem:s4+$0xFFFFFFE0] =	vst v5;
	v7 =	vmul.f32 v3, v0  }
0xf2: {  	v3 =	vld [tilespmem:s3+$0x0];
	v5 =	vmul.f32 v4, v0;
	[tilespmem:s4+$0x10] =	vst v6  }
0xf3: {  	v4 =	vld [tilespmem:s3+$0xFFFFFFF0];
	[tilespmem:s4+$0x0] =	vst v7  }
0xf4: {  	_ = 	snop  }
0xf5: {  	v2 =	vmul.f32 v2, v0  }
0xf6: {  	[tilespmem:s4+$0xFFFFFFF0] =	vst v5;
	v1 =	vmul.f32 v1, v0  }
0xf7: {  	[tilespmem:s3+$0xFFFFFFE0] =	vst v2;
	v62 =	vmul.f32 v3, v0  }
0xf8: {  	v63 =	vmul.f32 v4, v0;
	[tilespmem:s3+$0x10] =	vst v1  }
0xf9: {  	[tilespmem:s3+$0x0] =	vst v62  }
0xfa: {  	s29 =	simm.s32 $0x0;
	s30 =	simm.s32 $0x2080;
	s31 =	simm.s32 $0x4;
	[tilespmem:s3+$0xFFFFFFF0] =	vst v63  }
0xfb: {  	[hbm4b:s2+s29] =	stream.linear.scatter [tilespmem:s30], [sflag:$0x4], $0x400, $0x38;
	[tilespmem:$0x2D30] =	vst v63  }
0xfc: {  	_ =	swait.ge [sflag:s31], $0x400  }
0xfd: {  	[sflag:s31] =	ssyncset.done $0x0  }
0xfe: {  	[sflag:s31] =	ssyncadd.s32 $0xFFFFFC00  }
0xff: {  	_ =	sfence.sel $0x180000  }
0x100: {  	[bflag:$0x0] =	sbarrier.arrive $0xFFFF  }
0x101: {  	p0 =	sne.s32 s0, $0x0;
	_ =	strace $0x90000047  }
0x102: {  	s0 =	sadd.s32 @!p0 $0x100000, s1;
	[bflag:$0x2] =	sbarrier.arrive $0xFFFF  }
0x103: {  	[sflag:s0] =	ssyncadd.tile.s32 @!p0 $0x1;
	_ =	shalt  }
.Lfunc_end2:
_tile_overlayer_lowered:
.L_overlay_start_2:
0x104: {  	(tag) =	ssettag $0x2  }
0x105: {  	s0 =	rddreg [dreg:$0x0];
	s2 =	stileid.u32  }
0x106: {  	s1 =	rddreg [dreg:$0x1];
	p0 =	sne.s32 s2, $0x0  }
0x107: {  	s3 =	rddreg [dreg:$0x2];
	[bflag:$0x3] =	sbarrier.arrive $0xFFFF;
	s2 =	simm.s32 @!p0 $0x1C04  }
0x108: {  	[timem:s3], [sflag:s2] =	dma.local @!p0 [hbm:s0], s1  }
0x109: {  	s0 =	simm.s32 @!p0 $0x4  }
0x10a: {  	_ =	swait.ge @!p0 [sflag:s0], s1  }
0x10b: {  	s1 =	ssub.s32 @!p0 $0x0, s1;
	[sflag:s0] =	ssyncset.done @!p0 $0x0  }
0x10c: {  	[sflag:s0] =	ssyncadd.s32 @!p0 s1  }
0x10d: {  	[bflag:$0x3] =	sbarrier.arrive $0xFFFF  }
0x10e: {  	_ =	shalt  }

</sc_bundles>
